<compile_context>
chip_gen: v7x
topology: tpu7x:2x2x1
jax: 0.10.2.dev20260603
libtpu: 0.0.44.dev20260713+nightly
codegen_flags: <defaults>
</compile_context>

<pallas_src>
import functools

import jax
import jax.numpy as jnp
from jax import lax
from jax.experimental import pallas as pl
from jax.experimental.pallas import tpu as pltpu
from jax.experimental.pallas import tpu_sc as plsc

TOTAL = 2 * 8192 * 2048
ROWS = 16384
COLS = 2048
NUM_WORKERS = 32
ROWS_PER_WORKER = ROWS // NUM_WORKERS
RCHUNK = 8
CHUNK = RCHUNK * COLS
NCHUNK = ROWS_PER_WORKER // RCHUNK
UNROLL = 8
NSEG = 34
SEG_PAD = 40
KNOT_PAD = 56


def _sc_body(v_hbm, knots_hbm, coef_hbm, out_hbm,
             knots_v, c0, c1, c2, c3, c4, c5,
             in0, in1, out0, out1,
             sem_in0, sem_in1, sem_out0, sem_out1):
    wid = lax.axis_index("s") * 2 + lax.axis_index("c")
    base = wid * ROWS_PER_WORKER

    pltpu.sync_copy(knots_hbm, knots_v)
    coefs = (c0, c1, c2, c3, c4, c5)
    for j in range(6):
        pltpu.sync_copy(coef_hbm.at[j], coefs[j])

    inbufs = (in0, in1)
    outbufs = (out0, out1)
    sin = (sem_in0, sem_in1)
    sout = (sem_out0, sem_out1)

    def in_slice(g):
        return v_hbm.at[pl.ds(base + g * RCHUNK, RCHUNK), :]

    def out_slice(g):
        return out_hbm.at[pl.ds(base + g * RCHUNK, RCHUNK), :]

    pltpu.async_copy(in_slice(0), in0, sem_in0)
    pltpu.async_copy(in_slice(1), in1, sem_in1)

    def compute_chunk(ib, ob):
        @plsc.parallel_loop(0, CHUNK, 16, unroll=UNROLL)
        def _(off):
            r = lax.shift_right_logical(off, 11)
            c = lax.bitwise_and(off, COLS - 1)
            v = ib[r, pl.ds(c, 16)]
            lo = jnp.zeros((16,), jnp.int32)
            for b in (32, 16, 8, 4, 2, 1):
                hi = lo + b
                probe = plsc.load_gather(knots_v, [hi])
                lo = jnp.where(probe <= v, hi, lo)
            n2 = plsc.load_gather(c0, [lo])
            n1 = plsc.load_gather(c1, [lo])
            n0 = plsc.load_gather(c2, [lo])
            q2 = plsc.load_gather(c3, [lo])
            q1 = plsc.load_gather(c4, [lo])
            q0 = plsc.load_gather(c5, [lo])
            num = (n2 * v + n1) * v + n0
            den = (q2 * v + q1) * v + q0
            ob[r, pl.ds(c, 16)] = num / den

    def gbody(g2, carry):
        for b in range(2):
            g = g2 * 2 + b
            pltpu.make_async_copy(in_slice(g), inbufs[b], sin[b]).wait()
            @pl.when(g2 >= 1)
            def _():
                pltpu.make_async_copy(outbufs[b], out_slice(g - 2), sout[b]).wait()
            compute_chunk(inbufs[b], outbufs[b])
            pltpu.async_copy(outbufs[b], out_slice(g), sout[b])
            @pl.when(g2 < NCHUNK // 2 - 1)
            def _():
                pltpu.async_copy(in_slice(g + 2), inbufs[b], sin[b])
        return carry

    lax.fori_loop(0, NCHUNK // 2, gbody, 0)

    pltpu.make_async_copy(out0, out_slice(NCHUNK - 2), sem_out0).wait()
    pltpu.make_async_copy(out1, out_slice(NCHUNK - 1), sem_out1).wait()


@jax.jit
def _sc_spline(v_flat, knots_pad, coef):
    mesh = plsc.VectorSubcoreMesh(core_axis_name="c", subcore_axis_name="s")
    f = functools.partial(
        pl.kernel,
        out_type=jax.ShapeDtypeStruct((ROWS, COLS), jnp.float32),
        mesh=mesh,
        scratch_types=[
            pltpu.VMEM((KNOT_PAD,), jnp.float32),
            pltpu.VMEM((SEG_PAD,), jnp.float32),
            pltpu.VMEM((SEG_PAD,), jnp.float32),
            pltpu.VMEM((SEG_PAD,), jnp.float32),
            pltpu.VMEM((SEG_PAD,), jnp.float32),
            pltpu.VMEM((SEG_PAD,), jnp.float32),
            pltpu.VMEM((SEG_PAD,), jnp.float32),
            pltpu.VMEM((RCHUNK, COLS), jnp.float32),
            pltpu.VMEM((RCHUNK, COLS), jnp.float32),
            pltpu.VMEM((RCHUNK, COLS), jnp.float32),
            pltpu.VMEM((RCHUNK, COLS), jnp.float32),
            pltpu.SemaphoreType.DMA,
            pltpu.SemaphoreType.DMA,
            pltpu.SemaphoreType.DMA,
            pltpu.SemaphoreType.DMA,
        ],
        compiler_params=pltpu.CompilerParams(needs_layout_passes=False),
    )(_sc_body)
    return f(v_flat, knots_pad, coef)


def kernel(input_data, x_pos, x_neg, y_pos, y_neg, ln_d):
    n = y_pos.shape[-1]
    wp = jnp.exp(x_pos).reshape(1, n, 2).sum(-1)
    wn = jnp.exp(x_neg).reshape(1, n, 2).sum(-1)
    hp = jnp.exp(y_pos)
    hn = jnp.exp(y_neg)
    widths = jnp.concatenate([wn[:, ::-1], wp], axis=-1)
    heights = jnp.concatenate([hn[:, ::-1], hp], axis=-1)
    cw = jnp.cumsum(widths, axis=-1)
    X = jnp.concatenate([jnp.zeros_like(cw[:, :1]), cw], axis=-1)
    X = (X - X[:, n:n + 1])[0]
    ch = jnp.cumsum(heights, axis=-1)
    Y = jnp.concatenate([jnp.zeros_like(ch[:, :1]), ch], axis=-1)
    Y = (Y - Y[:, n:n + 1])[0]
    D = jnp.exp(ln_d)[0]

    xk = X[:-1]
    yk = Y[:-1]
    dk = D[:-1]
    dk1 = D[1:]
    w = X[1:] - xk
    h = Y[1:] - yk
    s = h / w
    dd = dk + dk1 - 2.0 * s
    aN = h * s - h * dk - yk * dd
    bN = w * (yk * dd + h * dk)
    cN = yk * s * w * w
    aQ = -dd
    bQ = dd * w
    cQ = s * w * w

    def shift(a, b, c):
        return a, b - 2.0 * a * xk, (a * xk - b) * xk + c

    n2, n1, n0 = shift(aN, bN, cN)
    q2, q1, q0 = shift(aQ, bQ, cQ)

    zero1 = jnp.zeros((1,), jnp.float32)
    one1 = jnp.ones((1,), jnp.float32)
    padz = jnp.zeros((SEG_PAD - NSEG,), jnp.float32)
    lt_n1 = D[:1]
    lt_n0 = (Y[0] - D[0] * X[0])[None]
    rt_n1 = D[-1:]
    rt_n0 = (Y[-1] - D[-1] * X[-1])[None]
    en2 = jnp.concatenate([zero1, n2, zero1, padz])
    en1 = jnp.concatenate([lt_n1, n1, rt_n1, padz])
    en0 = jnp.concatenate([lt_n0, n0, rt_n0, padz])
    eq2 = jnp.concatenate([zero1, q2, zero1, padz])
    eq1 = jnp.concatenate([zero1, q1, zero1, padz])
    eq0 = jnp.concatenate([one1, q0, one1, padz])
    coef = jnp.stack([en2, en1, en0, eq2, eq1, eq0])

    big = jnp.full((KNOT_PAD - NSEG,), jnp.inf, jnp.float32)
    knots_pad = jnp.concatenate([X[:1], X, big])

    v = input_data.reshape(ROWS, COLS)
    out = _sc_spline(v, knots_pad, coef)
    return out.reshape(input_data.shape)

# --- scband reference (transcript-rebuilt; emitter-appended) ---
"""Pipeline reference for scband-unified-monotonic-spline-61375082660149 (READ-ONLY COPY).

The authoritative reference and input builder live on the scoring server;
editing this copy changes nothing except your own understanding.
"""

import jax, jax.numpy as jnp
import numpy as np
import math

N_NODES = 16

def setup_inputs(seed: int = 0) -> dict:
    key = jax.random.key(seed)
    ks = jax.random.split(key, 6)
    n = N_NODES
    init_val = math.log(0.5)
    inp = {}
    inp['input_data'] = jax.random.normal(ks[0], (2, 8192, 2048), dtype=jnp.float32) * 2.0
    # internal spline parameters (B=1 leading dim, as in _InitInternalParams),
    # perturbed slightly around identity init so the spline is non-trivial
    inp['x_pos'] = init_val + 0.1 * jax.random.normal(ks[1], (1, 2 * n), dtype=jnp.float32)
    inp['x_neg'] = init_val + 0.1 * jax.random.normal(ks[2], (1, 2 * n), dtype=jnp.float32)
    inp['y_pos'] = 0.1 * jax.random.normal(ks[3], (1, n), dtype=jnp.float32)
    inp['y_neg'] = 0.1 * jax.random.normal(ks[4], (1, n), dtype=jnp.float32)
    inp['ln_d'] = 0.1 * jax.random.normal(ks[5], (1, 2 * n + 1), dtype=jnp.float32)
    return inp

def _calculate_knots(x_pos, x_neg, y_pos, y_neg, ln_d):
    # x_pos/x_neg: [B, 2n] log sub-widths (2 per bin); y_pos/y_neg: [B, n] log heights;
    # ln_d: [B, 2n+1] log derivatives at the 2n+1 knots. Centered: knot n at (0, 0).
    B = x_pos.shape[0]
    n = y_pos.shape[-1]
    wp = jnp.exp(x_pos).reshape(B, n, 2).sum(-1)  # positive-side bin widths [B, n]
    wn = jnp.exp(x_neg).reshape(B, n, 2).sum(-1)  # negative-side bin widths [B, n]
    hp = jnp.exp(y_pos)
    hn = jnp.exp(y_neg)
    widths = jnp.concatenate([wn[:, ::-1], wp], axis=-1)   # [B, 2n], left-to-right
    heights = jnp.concatenate([hn[:, ::-1], hp], axis=-1)
    cw = jnp.cumsum(widths, axis=-1)
    X = jnp.concatenate([jnp.zeros_like(cw[:, :1]), cw], axis=-1)  # [B, 2n+1]
    X = X - X[:, n:n + 1]  # center so X[n] = 0
    ch = jnp.cumsum(heights, axis=-1)
    Y = jnp.concatenate([jnp.zeros_like(ch[:, :1]), ch], axis=-1)
    Y = Y - Y[:, n:n + 1]  # center so Y[n] = 0
    D = jnp.exp(ln_d)      # positive knot derivatives [B, 2n+1]
    return X, Y, D

def _apply_spline(v, X, Y, D):
    # v: [T]; X, Y, D: [K] with K = 2n+1. Monotonic rational-quadratic spline
    # on [X[0], X[-1]] with linear tails using boundary derivatives.
    K = X.shape[0]
    idx = jnp.clip(jnp.searchsorted(X, v, side='right') - 1, 0, K - 2)
    x_k = jnp.take(X, idx)
    x_k1 = jnp.take(X, idx + 1)
    y_k = jnp.take(Y, idx)
    y_k1 = jnp.take(Y, idx + 1)
    d_k = jnp.take(D, idx)
    d_k1 = jnp.take(D, idx + 1)
    w = x_k1 - x_k
    h = y_k1 - y_k
    s = h / w
    xi = jnp.clip((v - x_k) / w, 0.0, 1.0)
    om = 1.0 - xi
    denom = s + (d_k1 + d_k - 2.0 * s) * xi * om
    num = h * (s * xi * xi + d_k * xi * om)
    y_in = y_k + num / denom
    below = v < X[0]
    above = v > X[-1]
    y_lo = Y[0] + D[0] * (v - X[0])
    y_hi = Y[-1] + D[-1] * (v - X[-1])
    return jnp.where(below, y_lo, jnp.where(above, y_hi, y_in))

def reference(input_data, x_pos, x_neg, y_pos, y_neg, ln_d):
    # internal-params mode, centered=True, increasing, inverse=False, B_proc == 1
    X, Y, D = _calculate_knots(x_pos, x_neg, y_pos, y_neg, ln_d)
    v = input_data.reshape(-1)
    out = _apply_spline(v, X[0], Y[0], D[0])
    return out.reshape(input_data.shape)

if __name__ == "__main__":
    import jax
    _d = setup_inputs()
    print(jax.jit(kernel)(*tuple(_d.values())))

</pallas_src>

<mosaic_0001>
#map = affine_map<(d0, d1) -> (0, 0)>
#map1 = affine_map<(d0, d1) -> (0)>
module attributes {stable_mosaic.version = 14 : i64} {
  func.func @_sc_body(%arg0: i32, %arg1: i32, %arg2: memref<16384x2048xf32, #tpu.memory_space<hbm>>, %arg3: memref<56xf32, #tpu.memory_space<hbm>>, %arg4: memref<6x40xf32, #tpu.memory_space<hbm>>, %arg5: memref<16384x2048xf32, #tpu.memory_space<hbm>>, %arg6: memref<56xf32, #tpu.memory_space<vmem>>, %arg7: memref<40xf32, #tpu.memory_space<vmem>>, %arg8: memref<40xf32, #tpu.memory_space<vmem>>, %arg9: memref<40xf32, #tpu.memory_space<vmem>>, %arg10: memref<40xf32, #tpu.memory_space<vmem>>, %arg11: memref<40xf32, #tpu.memory_space<vmem>>, %arg12: memref<40xf32, #tpu.memory_space<vmem>>, %arg13: memref<8x2048xf32, #tpu.memory_space<vmem>>, %arg14: memref<8x2048xf32, #tpu.memory_space<vmem>>, %arg15: memref<8x2048xf32, #tpu.memory_space<vmem>>, %arg16: memref<8x2048xf32, #tpu.memory_space<vmem>>, %arg17: memref<!tpu.dma_semaphore, #tpu.memory_space<semaphore_mem>>, %arg18: memref<!tpu.dma_semaphore, #tpu.memory_space<semaphore_mem>>, %arg19: memref<!tpu.dma_semaphore, #tpu.memory_space<semaphore_mem>>, %arg20: memref<!tpu.dma_semaphore, #tpu.memory_space<semaphore_mem>>) attributes {dimension_semantics = [#tpu.dimension_semantics<core_parallel>, #tpu.dimension_semantics<subcore_parallel>], iteration_bounds = array<i64: 2, 16>, scalar_prefetch = 0 : i64, scratch_operands = 15 : i64, tpu.core_type = #tpu.core_type<sc_vector_subcore>, window_params = [{transform_indices = #map}, {transform_indices = #map1}, {transform_indices = #map}, {transform_indices = #map}]} {
    %mul3A = arith.constant 2 : i32
    %mul3A_0 = arith.muli %arg1, %mul3A : i32
    %add3A = arith.addi %mul3A_0, %arg0 : i32
    %mul3A_1 = arith.constant 512 : i32
    %mul3A_2 = arith.muli %add3A, %mul3A_1 : i32
    "tpu.region"() ({
      %run_scoped3A_35 = tpu.sem_alloc : memref<!tpu.dma_semaphore, #tpu.memory_space<semaphore_mem>>
      tpu.enqueue_dma source(%arg3 : memref<56xf32, #tpu.memory_space<hbm>>) target(%arg6 : memref<56xf32, #tpu.memory_space<vmem>>) target_semaphore(%run_scoped3A_35 : memref<!tpu.dma_semaphore, #tpu.memory_space<semaphore_mem>>)
      tpu.wait_dma2 semaphore(%run_scoped3A_35 : memref<!tpu.dma_semaphore, #tpu.memory_space<semaphore_mem>>) src(%arg3 : memref<56xf32, #tpu.memory_space<hbm>>) dst(%arg6 : memref<56xf32, #tpu.memory_space<vmem>>)
      tpu.yield
    }) : () -> ()
    %run_scoped3A = arith.constant 0 : i32
    "tpu.region"() ({
      %run_scoped3A_35 = tpu.sem_alloc : memref<!tpu.dma_semaphore, #tpu.memory_space<semaphore_mem>>
      %dma_start3A_36 = arith.constant 0 : i32
      %dma_start3A_37 = tpu.memref_slice %arg4[%run_scoped3A, %dma_start3A_36] : memref<6x40xf32, #tpu.memory_space<hbm>> -> memref<1x40xf32, #tpu.memory_space<hbm>>
      %dma_start3A_38 = tpu.memref_squeeze %dma_start3A_37 : memref<1x40xf32, #tpu.memory_space<hbm>> -> memref<40xf32, #tpu.memory_space<hbm>>
      %dma_start3A_39 = arith.constant 0 : i32
      %dma_start3A_40 = tpu.memref_slice %arg4[%run_scoped3A, %dma_start3A_39] : memref<6x40xf32, #tpu.memory_space<hbm>> -> memref<1x40xf32, #tpu.memory_space<hbm>>
      %dma_start3A_41 = tpu.memref_squeeze %dma_start3A_40 : memref<1x40xf32, #tpu.memory_space<hbm>> -> memref<40xf32, #tpu.memory_space<hbm>>
      tpu.enqueue_dma source(%dma_start3A_41 : memref<40xf32, #tpu.memory_space<hbm>>) target(%arg7 : memref<40xf32, #tpu.memory_space<vmem>>) target_semaphore(%run_scoped3A_35 : memref<!tpu.dma_semaphore, #tpu.memory_space<semaphore_mem>>)
      %dma_wait3A_42 = arith.constant 0 : i32
      %dma_wait3A_43 = tpu.memref_slice %arg4[%run_scoped3A, %dma_wait3A_42] : memref<6x40xf32, #tpu.memory_space<hbm>> -> memref<1x40xf32, #tpu.memory_space<hbm>>
      %dma_wait3A_44 = tpu.memref_squeeze %dma_wait3A_43 : memref<1x40xf32, #tpu.memory_space<hbm>> -> memref<40xf32, #tpu.memory_space<hbm>>
      %dma_wait3A_45 = arith.constant 0 : i32
      %dma_wait3A_46 = tpu.memref_slice %arg4[%run_scoped3A, %dma_wait3A_45] : memref<6x40xf32, #tpu.memory_space<hbm>> -> memref<1x40xf32, #tpu.memory_space<hbm>>
      %dma_wait3A_47 = tpu.memref_squeeze %dma_wait3A_46 : memref<1x40xf32, #tpu.memory_space<hbm>> -> memref<40xf32, #tpu.memory_space<hbm>>
      tpu.wait_dma2 semaphore(%run_scoped3A_35 : memref<!tpu.dma_semaphore, #tpu.memory_space<semaphore_mem>>) src(%dma_wait3A_47 : memref<40xf32, #tpu.memory_space<hbm>>) dst(%arg7 : memref<40xf32, #tpu.memory_space<vmem>>)
      tpu.yield
    }) : () -> ()
    %run_scoped3A_3 = arith.constant 1 : i32
    "tpu.region"() ({
      %run_scoped3A_35 = tpu.sem_alloc : memref<!tpu.dma_semaphore, #tpu.memory_space<semaphore_mem>>
      %dma_start3A_36 = arith.constant 0 : i32
      %dma_start3A_37 = tpu.memref_slice %arg4[%run_scoped3A_3, %dma_start3A_36] : memref<6x40xf32, #tpu.memory_space<hbm>> -> memref<1x40xf32, #tpu.memory_space<hbm>>
      %dma_start3A_38 = tpu.memref_squeeze %dma_start3A_37 : memref<1x40xf32, #tpu.memory_space<hbm>> -> memref<40xf32, #tpu.memory_space<hbm>>
      %dma_start3A_39 = arith.constant 0 : i32
      %dma_start3A_40 = tpu.memref_slice %arg4[%run_scoped3A_3, %dma_start3A_39] : memref<6x40xf32, #tpu.memory_space<hbm>> -> memref<1x40xf32, #tpu.memory_space<hbm>>
      %dma_start3A_41 = tpu.memref_squeeze %dma_start3A_40 : memref<1x40xf32, #tpu.memory_space<hbm>> -> memref<40xf32, #tpu.memory_space<hbm>>
      tpu.enqueue_dma source(%dma_start3A_41 : memref<40xf32, #tpu.memory_space<hbm>>) target(%arg8 : memref<40xf32, #tpu.memory_space<vmem>>) target_semaphore(%run_scoped3A_35 : memref<!tpu.dma_semaphore, #tpu.memory_space<semaphore_mem>>)
      %dma_wait3A_42 = arith.constant 0 : i32
      %dma_wait3A_43 = tpu.memref_slice %arg4[%run_scoped3A_3, %dma_wait3A_42] : memref<6x40xf32, #tpu.memory_space<hbm>> -> memref<1x40xf32, #tpu.memory_space<hbm>>
      %dma_wait3A_44 = tpu.memref_squeeze %dma_wait3A_43 : memref<1x40xf32, #tpu.memory_space<hbm>> -> memref<40xf32, #tpu.memory_space<hbm>>
      %dma_wait3A_45 = arith.constant 0 : i32
      %dma_wait3A_46 = tpu.memref_slice %arg4[%run_scoped3A_3, %dma_wait3A_45] : memref<6x40xf32, #tpu.memory_space<hbm>> -> memref<1x40xf32, #tpu.memory_space<hbm>>
      %dma_wait3A_47 = tpu.memref_squeeze %dma_wait3A_46 : memref<1x40xf32, #tpu.memory_space<hbm>> -> memref<40xf32, #tpu.memory_space<hbm>>
      tpu.wait_dma2 semaphore(%run_scoped3A_35 : memref<!tpu.dma_semaphore, #tpu.memory_space<semaphore_mem>>) src(%dma_wait3A_47 : memref<40xf32, #tpu.memory_space<hbm>>) dst(%arg8 : memref<40xf32, #tpu.memory_space<vmem>>)
      tpu.yield
    }) : () -> ()
    %run_scoped3A_4 = arith.constant 2 : i32
    "tpu.region"() ({
      %run_scoped3A_35 = tpu.sem_alloc : memref<!tpu.dma_semaphore, #tpu.memory_space<semaphore_mem>>
      %dma_start3A_36 = arith.constant 0 : i32
      %dma_start3A_37 = tpu.memref_slice %arg4[%run_scoped3A_4, %dma_start3A_36] : memref<6x40xf32, #tpu.memory_space<hbm>> -> memref<1x40xf32, #tpu.memory_space<hbm>>
      %dma_start3A_38 = tpu.memref_squeeze %dma_start3A_37 : memref<1x40xf32, #tpu.memory_space<hbm>> -> memref<40xf32, #tpu.memory_space<hbm>>
      %dma_start3A_39 = arith.constant 0 : i32
      %dma_start3A_40 = tpu.memref_slice %arg4[%run_scoped3A_4, %dma_start3A_39] : memref<6x40xf32, #tpu.memory_space<hbm>> -> memref<1x40xf32, #tpu.memory_space<hbm>>
      %dma_start3A_41 = tpu.memref_squeeze %dma_start3A_40 : memref<1x40xf32, #tpu.memory_space<hbm>> -> memref<40xf32, #tpu.memory_space<hbm>>
      tpu.enqueue_dma source(%dma_start3A_41 : memref<40xf32, #tpu.memory_space<hbm>>) target(%arg9 : memref<40xf32, #tpu.memory_space<vmem>>) target_semaphore(%run_scoped3A_35 : memref<!tpu.dma_semaphore, #tpu.memory_space<semaphore_mem>>)
      %dma_wait3A_42 = arith.constant 0 : i32
      %dma_wait3A_43 = tpu.memref_slice %arg4[%run_scoped3A_4, %dma_wait3A_42] : memref<6x40xf32, #tpu.memory_space<hbm>> -> memref<1x40xf32, #tpu.memory_space<hbm>>
      %dma_wait3A_44 = tpu.memref_squeeze %dma_wait3A_43 : memref<1x40xf32, #tpu.memory_space<hbm>> -> memref<40xf32, #tpu.memory_space<hbm>>
      %dma_wait3A_45 = arith.constant 0 : i32
      %dma_wait3A_46 = tpu.memref_slice %arg4[%run_scoped3A_4, %dma_wait3A_45] : memref<6x40xf32, #tpu.memory_space<hbm>> -> memref<1x40xf32, #tpu.memory_space<hbm>>
      %dma_wait3A_47 = tpu.memref_squeeze %dma_wait3A_46 : memref<1x40xf32, #tpu.memory_space<hbm>> -> memref<40xf32, #tpu.memory_space<hbm>>
      tpu.wait_dma2 semaphore(%run_scoped3A_35 : memref<!tpu.dma_semaphore, #tpu.memory_space<semaphore_mem>>) src(%dma_wait3A_47 : memref<40xf32, #tpu.memory_space<hbm>>) dst(%arg9 : memref<40xf32, #tpu.memory_space<vmem>>)
      tpu.yield
    }) : () -> ()
    %run_scoped3A_5 = arith.constant 3 : i32
    "tpu.region"() ({
      %run_scoped3A_35 = tpu.sem_alloc : memref<!tpu.dma_semaphore, #tpu.memory_space<semaphore_mem>>
      %dma_start3A_36 = arith.constant 0 : i32
      %dma_start3A_37 = tpu.memref_slice %arg4[%run_scoped3A_5, %dma_start3A_36] : memref<6x40xf32, #tpu.memory_space<hbm>> -> memref<1x40xf32, #tpu.memory_space<hbm>>
      %dma_start3A_38 = tpu.memref_squeeze %dma_start3A_37 : memref<1x40xf32, #tpu.memory_space<hbm>> -> memref<40xf32, #tpu.memory_space<hbm>>
      %dma_start3A_39 = arith.constant 0 : i32
      %dma_start3A_40 = tpu.memref_slice %arg4[%run_scoped3A_5, %dma_start3A_39] : memref<6x40xf32, #tpu.memory_space<hbm>> -> memref<1x40xf32, #tpu.memory_space<hbm>>
      %dma_start3A_41 = tpu.memref_squeeze %dma_start3A_40 : memref<1x40xf32, #tpu.memory_space<hbm>> -> memref<40xf32, #tpu.memory_space<hbm>>
      tpu.enqueue_dma source(%dma_start3A_41 : memref<40xf32, #tpu.memory_space<hbm>>) target(%arg10 : memref<40xf32, #tpu.memory_space<vmem>>) target_semaphore(%run_scoped3A_35 : memref<!tpu.dma_semaphore, #tpu.memory_space<semaphore_mem>>)
      %dma_wait3A_42 = arith.constant 0 : i32
      %dma_wait3A_43 = tpu.memref_slice %arg4[%run_scoped3A_5, %dma_wait3A_42] : memref<6x40xf32, #tpu.memory_space<hbm>> -> memref<1x40xf32, #tpu.memory_space<hbm>>
      %dma_wait3A_44 = tpu.memref_squeeze %dma_wait3A_43 : memref<1x40xf32, #tpu.memory_space<hbm>> -> memref<40xf32, #tpu.memory_space<hbm>>
      %dma_wait3A_45 = arith.constant 0 : i32
      %dma_wait3A_46 = tpu.memref_slice %arg4[%run_scoped3A_5, %dma_wait3A_45] : memref<6x40xf32, #tpu.memory_space<hbm>> -> memref<1x40xf32, #tpu.memory_space<hbm>>
      %dma_wait3A_47 = tpu.memref_squeeze %dma_wait3A_46 : memref<1x40xf32, #tpu.memory_space<hbm>> -> memref<40xf32, #tpu.memory_space<hbm>>
      tpu.wait_dma2 semaphore(%run_scoped3A_35 : memref<!tpu.dma_semaphore, #tpu.memory_space<semaphore_mem>>) src(%dma_wait3A_47 : memref<40xf32, #tpu.memory_space<hbm>>) dst(%arg10 : memref<40xf32, #tpu.memory_space<vmem>>)
      tpu.yield
    }) : () -> ()
    %run_scoped3A_6 = arith.constant 4 : i32
    "tpu.region"() ({
      %run_scoped3A_35 = tpu.sem_alloc : memref<!tpu.dma_semaphore, #tpu.memory_space<semaphore_mem>>
      %dma_start3A_36 = arith.constant 0 : i32
      %dma_start3A_37 = tpu.memref_slice %arg4[%run_scoped3A_6, %dma_start3A_36] : memref<6x40xf32, #tpu.memory_space<hbm>> -> memref<1x40xf32, #tpu.memory_space<hbm>>
      %dma_start3A_38 = tpu.memref_squeeze %dma_start3A_37 : memref<1x40xf32, #tpu.memory_space<hbm>> -> memref<40xf32, #tpu.memory_space<hbm>>
      %dma_start3A_39 = arith.constant 0 : i32
      %dma_start3A_40 = tpu.memref_slice %arg4[%run_scoped3A_6, %dma_start3A_39] : memref<6x40xf32, #tpu.memory_space<hbm>> -> memref<1x40xf32, #tpu.memory_space<hbm>>
      %dma_start3A_41 = tpu.memref_squeeze %dma_start3A_40 : memref<1x40xf32, #tpu.memory_space<hbm>> -> memref<40xf32, #tpu.memory_space<hbm>>
      tpu.enqueue_dma source(%dma_start3A_41 : memref<40xf32, #tpu.memory_space<hbm>>) target(%arg11 : memref<40xf32, #tpu.memory_space<vmem>>) target_semaphore(%run_scoped3A_35 : memref<!tpu.dma_semaphore, #tpu.memory_space<semaphore_mem>>)
      %dma_wait3A_42 = arith.constant 0 : i32
      %dma_wait3A_43 = tpu.memref_slice %arg4[%run_scoped3A_6, %dma_wait3A_42] : memref<6x40xf32, #tpu.memory_space<hbm>> -> memref<1x40xf32, #tpu.memory_space<hbm>>
      %dma_wait3A_44 = tpu.memref_squeeze %dma_wait3A_43 : memref<1x40xf32, #tpu.memory_space<hbm>> -> memref<40xf32, #tpu.memory_space<hbm>>
      %dma_wait3A_45 = arith.constant 0 : i32
      %dma_wait3A_46 = tpu.memref_slice %arg4[%run_scoped3A_6, %dma_wait3A_45] : memref<6x40xf32, #tpu.memory_space<hbm>> -> memref<1x40xf32, #tpu.memory_space<hbm>>
      %dma_wait3A_47 = tpu.memref_squeeze %dma_wait3A_46 : memref<1x40xf32, #tpu.memory_space<hbm>> -> memref<40xf32, #tpu.memory_space<hbm>>
      tpu.wait_dma2 semaphore(%run_scoped3A_35 : memref<!tpu.dma_semaphore, #tpu.memory_space<semaphore_mem>>) src(%dma_wait3A_47 : memref<40xf32, #tpu.memory_space<hbm>>) dst(%arg11 : memref<40xf32, #tpu.memory_space<vmem>>)
      tpu.yield
    }) : () -> ()
    %run_scoped3A_7 = arith.constant 5 : i32
    "tpu.region"() ({
      %run_scoped3A_35 = tpu.sem_alloc : memref<!tpu.dma_semaphore, #tpu.memory_space<semaphore_mem>>
      %dma_start3A_36 = arith.constant 0 : i32
      %dma_start3A_37 = tpu.memref_slice %arg4[%run_scoped3A_7, %dma_start3A_36] : memref<6x40xf32, #tpu.memory_space<hbm>> -> memref<1x40xf32, #tpu.memory_space<hbm>>
      %dma_start3A_38 = tpu.memref_squeeze %dma_start3A_37 : memref<1x40xf32, #tpu.memory_space<hbm>> -> memref<40xf32, #tpu.memory_space<hbm>>
      %dma_start3A_39 = arith.constant 0 : i32
      %dma_start3A_40 = tpu.memref_slice %arg4[%run_scoped3A_7, %dma_start3A_39] : memref<6x40xf32, #tpu.memory_space<hbm>> -> memref<1x40xf32, #tpu.memory_space<hbm>>
      %dma_start3A_41 = tpu.memref_squeeze %dma_start3A_40 : memref<1x40xf32, #tpu.memory_space<hbm>> -> memref<40xf32, #tpu.memory_space<hbm>>
      tpu.enqueue_dma source(%dma_start3A_41 : memref<40xf32, #tpu.memory_space<hbm>>) target(%arg12 : memref<40xf32, #tpu.memory_space<vmem>>) target_semaphore(%run_scoped3A_35 : memref<!tpu.dma_semaphore, #tpu.memory_space<semaphore_mem>>)
      %dma_wait3A_42 = arith.constant 0 : i32
      %dma_wait3A_43 = tpu.memref_slice %arg4[%run_scoped3A_7, %dma_wait3A_42] : memref<6x40xf32, #tpu.memory_space<hbm>> -> memref<1x40xf32, #tpu.memory_space<hbm>>
      %dma_wait3A_44 = tpu.memref_squeeze %dma_wait3A_43 : memref<1x40xf32, #tpu.memory_space<hbm>> -> memref<40xf32, #tpu.memory_space<hbm>>
      %dma_wait3A_45 = arith.constant 0 : i32
      %dma_wait3A_46 = tpu.memref_slice %arg4[%run_scoped3A_7, %dma_wait3A_45] : memref<6x40xf32, #tpu.memory_space<hbm>> -> memref<1x40xf32, #tpu.memory_space<hbm>>
      %dma_wait3A_47 = tpu.memref_squeeze %dma_wait3A_46 : memref<1x40xf32, #tpu.memory_space<hbm>> -> memref<40xf32, #tpu.memory_space<hbm>>
      tpu.wait_dma2 semaphore(%run_scoped3A_35 : memref<!tpu.dma_semaphore, #tpu.memory_space<semaphore_mem>>) src(%dma_wait3A_47 : memref<40xf32, #tpu.memory_space<hbm>>) dst(%arg12 : memref<40xf32, #tpu.memory_space<vmem>>)
      tpu.yield
    }) : () -> ()
    %add3A_8 = arith.constant 0 : i32
    %add3A_9 = arith.addi %mul3A_2, %add3A_8 : i32
    %dma_start3A = arith.constant 0 : i32
    %dma_start3A_10 = tpu.memref_slice %arg2[%add3A_9, %dma_start3A] : memref<16384x2048xf32, #tpu.memory_space<hbm>> -> memref<8x2048xf32, #tpu.memory_space<hbm>>
    %dma_start3A_11 = arith.constant 0 : i32
    %dma_start3A_12 = tpu.memref_slice %arg2[%add3A_9, %dma_start3A_11] : memref<16384x2048xf32, #tpu.memory_space<hbm>> -> memref<8x2048xf32, #tpu.memory_space<hbm>>
    tpu.enqueue_dma source(%dma_start3A_12 : memref<8x2048xf32, #tpu.memory_space<hbm>>) target(%arg13 : memref<8x2048xf32, #tpu.memory_space<vmem>>) target_semaphore(%arg17 : memref<!tpu.dma_semaphore, #tpu.memory_space<semaphore_mem>>)
    %add3A_13 = arith.constant 8 : i32
    %add3A_14 = arith.addi %mul3A_2, %add3A_13 : i32
    %dma_start3A_15 = arith.constant 0 : i32
    %dma_start3A_16 = tpu.memref_slice %arg2[%add3A_14, %dma_start3A_15] : memref<16384x2048xf32, #tpu.memory_space<hbm>> -> memref<8x2048xf32, #tpu.memory_space<hbm>>
    %dma_start3A_17 = arith.constant 0 : i32
    %dma_start3A_18 = tpu.memref_slice %arg2[%add3A_14, %dma_start3A_17] : memref<16384x2048xf32, #tpu.memory_space<hbm>> -> memref<8x2048xf32, #tpu.memory_space<hbm>>
    tpu.enqueue_dma source(%dma_start3A_18 : memref<8x2048xf32, #tpu.memory_space<hbm>>) target(%arg14 : memref<8x2048xf32, #tpu.memory_space<vmem>>) target_semaphore(%arg18 : memref<!tpu.dma_semaphore, #tpu.memory_space<semaphore_mem>>)
    %scan3A = arith.constant 0 : i32
    %scan3A_19 = arith.constant 0 : i32
    %scan3A_20 = arith.constant 32 : i32
    %scan3A_21 = arith.addi %scan3A_19, %scan3A_20 : i32
    %scan3A_22 = arith.constant 1 : i32
    scf.for %scan3A_35 = %scan3A_19 to %scan3A_21 step %scan3A_22  : i32 {
      %mul3A_36 = arith.constant 2 : i32
      %mul3A_37 = arith.muli %scan3A_35, %mul3A_36 : i32
      %add3A_38 = arith.constant 0 : i32
      %add3A_39 = arith.addi %mul3A_37, %add3A_38 : i32
      %mul3A_40 = arith.constant 8 : i32
      %mul3A_41 = arith.muli %add3A_39, %mul3A_40 : i32
      %add3A_42 = arith.addi %mul3A_2, %mul3A_41 : i32
      %dma_wait3A_43 = arith.constant 0 : i32
      %dma_wait3A_44 = tpu.memref_slice %arg2[%add3A_42, %dma_wait3A_43] : memref<16384x2048xf32, #tpu.memory_space<hbm>> -> memref<8x2048xf32, #tpu.memory_space<hbm>>
      %dma_wait3A_45 = arith.constant 0 : i32
      %dma_wait3A_46 = tpu.memref_slice %arg2[%add3A_42, %dma_wait3A_45] : memref<16384x2048xf32, #tpu.memory_space<hbm>> -> memref<8x2048xf32, #tpu.memory_space<hbm>>
      tpu.wait_dma2 semaphore(%arg17 : memref<!tpu.dma_semaphore, #tpu.memory_space<semaphore_mem>>) src(%dma_wait3A_46 : memref<8x2048xf32, #tpu.memory_space<hbm>>) dst(%arg13 : memref<8x2048xf32, #tpu.memory_space<vmem>>)
      %ge3A = arith.constant 1 : i32
      %ge3A_47 = arith.cmpi sge, %scan3A_35, %ge3A : i32
      %convert_element_type3A = arith.extui %ge3A_47 : i1 to i32
      %cond3A = arith.constant 0 : i32
      %cond3A_48 = arith.cmpi ne, %convert_element_type3A, %cond3A : i32
      scf.if %cond3A_48 {
        %sub3A = arith.constant 2 : i32
        %sub3A_93 = arith.subi %add3A_39, %sub3A : i32
        %mul3A_94 = arith.constant 8 : i32
        %mul3A_95 = arith.muli %sub3A_93, %mul3A_94 : i32
        %add3A_96 = arith.addi %mul3A_2, %mul3A_95 : i32
        %dma_wait3A_97 = arith.constant 0 : i32
        %dma_wait3A_98 = tpu.memref_slice %arg5[%add3A_96, %dma_wait3A_97] : memref<16384x2048xf32, #tpu.memory_space<hbm>> -> memref<8x2048xf32, #tpu.memory_space<hbm>>
        %dma_wait3A_99 = arith.constant 0 : i32
        %dma_wait3A_100 = tpu.memref_slice %arg5[%add3A_96, %dma_wait3A_99] : memref<16384x2048xf32, #tpu.memory_space<hbm>> -> memref<8x2048xf32, #tpu.memory_space<hbm>>
        tpu.wait_dma2 semaphore(%arg19 : memref<!tpu.dma_semaphore, #tpu.memory_space<semaphore_mem>>) src(%arg15 : memref<8x2048xf32, #tpu.memory_space<vmem>>) dst(%dma_wait3A_100 : memref<8x2048xf32, #tpu.memory_space<hbm>>)
      } else {
      }
      %parallel_loop3A = arith.constant 0 : i32
      %parallel_loop3A_49 = arith.constant 16384 : i32
      %parallel_loop3A_50 = arith.constant 16 : i32
      scf.for %parallel_loop3A_93 = %parallel_loop3A to %parallel_loop3A_49 step %parallel_loop3A_50  : i32 {
        %parallel_loop3A_94 = arith.constant 11 : i32
        %parallel_loop3A_95 = arith.shrui %parallel_loop3A_93, %parallel_loop3A_94 : i32
        %parallel_loop3A_96 = arith.constant 2047 : i32
        %parallel_loop3A_97 = arith.andi %parallel_loop3A_93, %parallel_loop3A_96 : i32
        %parallel_loop3A_98 = arith.index_cast %parallel_loop3A_95 : i32 to index
        %parallel_loop3A_99 = arith.index_cast %parallel_loop3A_97 : i32 to index
        %parallel_loop3A_100 = tpu.vector_load %arg13[%parallel_loop3A_98, %parallel_loop3A_99] {strides = array<i32>} : memref<8x2048xf32, #tpu.memory_space<vmem>>, vector<16xf32>,
        %parallel_loop3A_101 = arith.constant 0 : i32
        %parallel_loop3A_102 = vector.broadcast %parallel_loop3A_101 : i32 to vector<16xi32>
        %parallel_loop3A_103 = arith.constant 32 : i32
        %parallel_loop3A_104 = vector.broadcast %parallel_loop3A_103 : i32 to vector<16xi32>
        %parallel_loop3A_105 = arith.addi %parallel_loop3A_102, %parallel_loop3A_104 : vector<16xi32>
        %parallel_loop3A_106 = tpu.vector_load_idx %arg6[%parallel_loop3A_105] : memref<56xf32, #tpu.memory_space<vmem>>[vector<16xi32>], vector<16xf32>,
        %parallel_loop3A_107 = arith.cmpf ole, %parallel_loop3A_106, %parallel_loop3A_100 : vector<16xf32>
        %parallel_loop3A_108 = arith.select %parallel_loop3A_107, %parallel_loop3A_105, %parallel_loop3A_102 : vector<16xi1>, vector<16xi32>
        %parallel_loop3A_109 = arith.constant 16 : i32
        %parallel_loop3A_110 = vector.broadcast %parallel_loop3A_109 : i32 to vector<16xi32>
        %parallel_loop3A_111 = arith.addi %parallel_loop3A_108, %parallel_loop3A_110 : vector<16xi32>
        %parallel_loop3A_112 = tpu.vector_load_idx %arg6[%parallel_loop3A_111] : memref<56xf32, #tpu.memory_space<vmem>>[vector<16xi32>], vector<16xf32>,
        %parallel_loop3A_113 = arith.cmpf ole, %parallel_loop3A_112, %parallel_loop3A_100 : vector<16xf32>
        %parallel_loop3A_114 = arith.select %parallel_loop3A_113, %parallel_loop3A_111, %parallel_loop3A_108 : vector<16xi1>, vector<16xi32>
        %parallel_loop3A_115 = arith.constant 8 : i32
        %parallel_loop3A_116 = vector.broadcast %parallel_loop3A_115 : i32 to vector<16xi32>
        %parallel_loop3A_117 = arith.addi %parallel_loop3A_114, %parallel_loop3A_116 : vector<16xi32>
        %parallel_loop3A_118 = tpu.vector_load_idx %arg6[%parallel_loop3A_117] : memref<56xf32, #tpu.memory_space<vmem>>[vector<16xi32>], vector<16xf32>,
        %parallel_loop3A_119 = arith.cmpf ole, %parallel_loop3A_118, %parallel_loop3A_100 : vector<16xf32>
        %parallel_loop3A_120 = arith.select %parallel_loop3A_119, %parallel_loop3A_117, %parallel_loop3A_114 : vector<16xi1>, vector<16xi32>
        %parallel_loop3A_121 = arith.constant 4 : i32
        %parallel_loop3A_122 = vector.broadcast %parallel_loop3A_121 : i32 to vector<16xi32>
        %parallel_loop3A_123 = arith.addi %parallel_loop3A_120, %parallel_loop3A_122 : vector<16xi32>
        %parallel_loop3A_124 = tpu.vector_load_idx %arg6[%parallel_loop3A_123] : memref<56xf32, #tpu.memory_space<vmem>>[vector<16xi32>], vector<16xf32>,
        %parallel_loop3A_125 = arith.cmpf ole, %parallel_loop3A_124, %parallel_loop3A_100 : vector<16xf32>
        %parallel_loop3A_126 = arith.select %parallel_loop3A_125, %parallel_loop3A_123, %parallel_loop3A_120 : vector<16xi1>, vector<16xi32>
        %parallel_loop3A_127 = arith.constant 2 : i32
        %parallel_loop3A_128 = vector.broadcast %parallel_loop3A_127 : i32 to vector<16xi32>
        %parallel_loop3A_129 = arith.addi %parallel_loop3A_126, %parallel_loop3A_128 : vector<16xi32>
        %parallel_loop3A_130 = tpu.vector_load_idx %arg6[%parallel_loop3A_129] : memref<56xf32, #tpu.memory_space<vmem>>[vector<16xi32>], vector<16xf32>,
        %parallel_loop3A_131 = arith.cmpf ole, %parallel_loop3A_130, %parallel_loop3A_100 : vector<16xf32>
        %parallel_loop3A_132 = arith.select %parallel_loop3A_131, %parallel_loop3A_129, %parallel_loop3A_126 : vector<16xi1>, vector<16xi32>
        %parallel_loop3A_133 = arith.constant 1 : i32
        %parallel_loop3A_134 = vector.broadcast %parallel_loop3A_133 : i32 to vector<16xi32>
        %parallel_loop3A_135 = arith.addi %parallel_loop3A_132, %parallel_loop3A_134 : vector<16xi32>
        %parallel_loop3A_136 = tpu.vector_load_idx %arg6[%parallel_loop3A_135] : memref<56xf32, #tpu.memory_space<vmem>>[vector<16xi32>], vector<16xf32>,
        %parallel_loop3A_137 = arith.cmpf ole, %parallel_loop3A_136, %parallel_loop3A_100 : vector<16xf32>
        %parallel_loop3A_138 = arith.select %parallel_loop3A_137, %parallel_loop3A_135, %parallel_loop3A_132 : vector<16xi1>, vector<16xi32>
        %parallel_loop3A_139 = tpu.vector_load_idx %arg7[%parallel_loop3A_138] : memref<40xf32, #tpu.memory_space<vmem>>[vector<16xi32>], vector<16xf32>,
        %parallel_loop3A_140 = tpu.vector_load_idx %arg8[%parallel_loop3A_138] : memref<40xf32, #tpu.memory_space<vmem>>[vector<16xi32>], vector<16xf32>,
        %parallel_loop3A_141 = tpu.vector_load_idx %arg9[%parallel_loop3A_138] : memref<40xf32, #tpu.memory_space<vmem>>[vector<16xi32>], vector<16xf32>,
        %parallel_loop3A_142 = tpu.vector_load_idx %arg10[%parallel_loop3A_138] : memref<40xf32, #tpu.memory_space<vmem>>[vector<16xi32>], vector<16xf32>,
        %parallel_loop3A_143 = tpu.vector_load_idx %arg11[%parallel_loop3A_138] : memref<40xf32, #tpu.memory_space<vmem>>[vector<16xi32>], vector<16xf32>,
        %parallel_loop3A_144 = tpu.vector_load_idx %arg12[%parallel_loop3A_138] : memref<40xf32, #tpu.memory_space<vmem>>[vector<16xi32>], vector<16xf32>,
        %parallel_loop3A_145 = arith.mulf %parallel_loop3A_139, %parallel_loop3A_100 : vector<16xf32>
        %parallel_loop3A_146 = arith.addf %parallel_loop3A_145, %parallel_loop3A_140 : vector<16xf32>
        %parallel_loop3A_147 = arith.mulf %parallel_loop3A_146, %parallel_loop3A_100 : vector<16xf32>
        %parallel_loop3A_148 = arith.addf %parallel_loop3A_147, %parallel_loop3A_141 : vector<16xf32>
        %parallel_loop3A_149 = arith.mulf %parallel_loop3A_142, %parallel_loop3A_100 : vector<16xf32>
        %parallel_loop3A_150 = arith.addf %parallel_loop3A_149, %parallel_loop3A_143 : vector<16xf32>
        %parallel_loop3A_151 = arith.mulf %parallel_loop3A_150, %parallel_loop3A_100 : vector<16xf32>
        %parallel_loop3A_152 = arith.addf %parallel_loop3A_151, %parallel_loop3A_144 : vector<16xf32>
        %parallel_loop3A_153 = arith.divf %parallel_loop3A_148, %parallel_loop3A_152 : vector<16xf32>
        %parallel_loop3A_154 = arith.index_cast %parallel_loop3A_95 : i32 to index
        %parallel_loop3A_155 = arith.index_cast %parallel_loop3A_97 : i32 to index
        %parallel_loop3A_156 = tpu.vector_load %arg15[%parallel_loop3A_154, %parallel_loop3A_155] {strides = array<i32>} : memref<8x2048xf32, #tpu.memory_space<vmem>>, vector<16xf32>,
        tpu.vector_store %arg15[%parallel_loop3A_154, %parallel_loop3A_155], %parallel_loop3A_153 {strides = array<i32>} : memref<8x2048xf32, #tpu.memory_space<vmem>>, vector<16xf32>,
      } {sc.loop_unroll_factor = 8 : i64, sc.parallel_access}
      %mul3A_51 = arith.constant 8 : i32
      %mul3A_52 = arith.muli %add3A_39, %mul3A_51 : i32
      %add3A_53 = arith.addi %mul3A_2, %mul3A_52 : i32
      %dma_start3A_54 = arith.constant 0 : i32
      %dma_start3A_55 = tpu.memref_slice %arg5[%add3A_53, %dma_start3A_54] : memref<16384x2048xf32, #tpu.memory_space<hbm>> -> memref<8x2048xf32, #tpu.memory_space<hbm>>
      %dma_start3A_56 = arith.constant 0 : i32
      %dma_start3A_57 = tpu.memref_slice %arg5[%add3A_53, %dma_start3A_56] : memref<16384x2048xf32, #tpu.memory_space<hbm>> -> memref<8x2048xf32, #tpu.memory_space<hbm>>
      tpu.enqueue_dma source(%arg15 : memref<8x2048xf32, #tpu.memory_space<vmem>>) target(%dma_start3A_57 : memref<8x2048xf32, #tpu.memory_space<hbm>>) target_semaphore(%arg19 : memref<!tpu.dma_semaphore, #tpu.memory_space<semaphore_mem>>)
      %lt3A = arith.constant 31 : i32
      %lt3A_58 = arith.cmpi slt, %scan3A_35, %lt3A : i32
      %convert_element_type3A_59 = arith.extui %lt3A_58 : i1 to i32
      %cond3A_60 = arith.constant 0 : i32
      %cond3A_61 = arith.cmpi ne, %convert_element_type3A_59, %cond3A_60 : i32
      scf.if %cond3A_61 {
        %add3A_93 = arith.constant 2 : i32
        %add3A_94 = arith.addi %add3A_39, %add3A_93 : i32
        %mul3A_95 = arith.constant 8 : i32
        %mul3A_96 = arith.muli %add3A_94, %mul3A_95 : i32
        %add3A_97 = arith.addi %mul3A_2, %mul3A_96 : i32
        %dma_start3A_98 = arith.constant 0 : i32
        %dma_start3A_99 = tpu.memref_slice %arg2[%add3A_97, %dma_start3A_98] : memref<16384x2048xf32, #tpu.memory_space<hbm>> -> memref<8x2048xf32, #tpu.memory_space<hbm>>
        %dma_start3A_100 = arith.constant 0 : i32
        %dma_start3A_101 = tpu.memref_slice %arg2[%add3A_97, %dma_start3A_100] : memref<16384x2048xf32, #tpu.memory_space<hbm>> -> memref<8x2048xf32, #tpu.memory_space<hbm>>
        tpu.enqueue_dma source(%dma_start3A_101 : memref<8x2048xf32, #tpu.memory_space<hbm>>) target(%arg13 : memref<8x2048xf32, #tpu.memory_space<vmem>>) target_semaphore(%arg17 : memref<!tpu.dma_semaphore, #tpu.memory_space<semaphore_mem>>)
      } else {
      }
      %mul3A_62 = arith.constant 2 : i32
      %mul3A_63 = arith.muli %scan3A_35, %mul3A_62 : i32
      %add3A_64 = arith.constant 1 : i32
      %add3A_65 = arith.addi %mul3A_63, %add3A_64 : i32
      %mul3A_66 = arith.constant 8 : i32
      %mul3A_67 = arith.muli %add3A_65, %mul3A_66 : i32
      %add3A_68 = arith.addi %mul3A_2, %mul3A_67 : i32
      %dma_wait3A_69 = arith.constant 0 : i32
      %dma_wait3A_70 = tpu.memref_slice %arg2[%add3A_68, %dma_wait3A_69] : memref<16384x2048xf32, #tpu.memory_space<hbm>> -> memref<8x2048xf32, #tpu.memory_space<hbm>>
      %dma_wait3A_71 = arith.constant 0 : i32
      %dma_wait3A_72 = tpu.memref_slice %arg2[%add3A_68, %dma_wait3A_71] : memref<16384x2048xf32, #tpu.memory_space<hbm>> -> memref<8x2048xf32, #tpu.memory_space<hbm>>
      tpu.wait_dma2 semaphore(%arg18 : memref<!tpu.dma_semaphore, #tpu.memory_space<semaphore_mem>>) src(%dma_wait3A_72 : memref<8x2048xf32, #tpu.memory_space<hbm>>) dst(%arg14 : memref<8x2048xf32, #tpu.memory_space<vmem>>)
      %ge3A_73 = arith.constant 1 : i32
      %ge3A_74 = arith.cmpi sge, %scan3A_35, %ge3A_73 : i32
      %convert_element_type3A_75 = arith.extui %ge3A_74 : i1 to i32
      %cond3A_76 = arith.constant 0 : i32
      %cond3A_77 = arith.cmpi ne, %convert_element_type3A_75, %cond3A_76 : i32
      scf.if %cond3A_77 {
        %sub3A = arith.constant 2 : i32
        %sub3A_93 = arith.subi %add3A_65, %sub3A : i32
        %mul3A_94 = arith.constant 8 : i32
        %mul3A_95 = arith.muli %sub3A_93, %mul3A_94 : i32
        %add3A_96 = arith.addi %mul3A_2, %mul3A_95 : i32
        %dma_wait3A_97 = arith.constant 0 : i32
        %dma_wait3A_98 = tpu.memref_slice %arg5[%add3A_96, %dma_wait3A_97] : memref<16384x2048xf32, #tpu.memory_space<hbm>> -> memref<8x2048xf32, #tpu.memory_space<hbm>>
        %dma_wait3A_99 = arith.constant 0 : i32
        %dma_wait3A_100 = tpu.memref_slice %arg5[%add3A_96, %dma_wait3A_99] : memref<16384x2048xf32, #tpu.memory_space<hbm>> -> memref<8x2048xf32, #tpu.memory_space<hbm>>
        tpu.wait_dma2 semaphore(%arg20 : memref<!tpu.dma_semaphore, #tpu.memory_space<semaphore_mem>>) src(%arg16 : memref<8x2048xf32, #tpu.memory_space<vmem>>) dst(%dma_wait3A_100 : memref<8x2048xf32, #tpu.memory_space<hbm>>)
      } else {
      }
      %parallel_loop3A_78 = arith.constant 0 : i32
      %parallel_loop3A_79 = arith.constant 16384 : i32
      %parallel_loop3A_80 = arith.constant 16 : i32
      scf.for %parallel_loop3A_93 = %parallel_loop3A_78 to %parallel_loop3A_79 step %parallel_loop3A_80  : i32 {
        %parallel_loop3A_94 = arith.constant 11 : i32
        %parallel_loop3A_95 = arith.shrui %parallel_loop3A_93, %parallel_loop3A_94 : i32
        %parallel_loop3A_96 = arith.constant 2047 : i32
        %parallel_loop3A_97 = arith.andi %parallel_loop3A_93, %parallel_loop3A_96 : i32
        %parallel_loop3A_98 = arith.index_cast %parallel_loop3A_95 : i32 to index
        %parallel_loop3A_99 = arith.index_cast %parallel_loop3A_97 : i32 to index
        %parallel_loop3A_100 = tpu.vector_load %arg14[%parallel_loop3A_98, %parallel_loop3A_99] {strides = array<i32>} : memref<8x2048xf32, #tpu.memory_space<vmem>>, vector<16xf32>,
        %parallel_loop3A_101 = arith.constant 0 : i32
        %parallel_loop3A_102 = vector.broadcast %parallel_loop3A_101 : i32 to vector<16xi32>
        %parallel_loop3A_103 = arith.constant 32 : i32
        %parallel_loop3A_104 = vector.broadcast %parallel_loop3A_103 : i32 to vector<16xi32>
        %parallel_loop3A_105 = arith.addi %parallel_loop3A_102, %parallel_loop3A_104 : vector<16xi32>
        %parallel_loop3A_106 = tpu.vector_load_idx %arg6[%parallel_loop3A_105] : memref<56xf32, #tpu.memory_space<vmem>>[vector<16xi32>], vector<16xf32>,
        %parallel_loop3A_107 = arith.cmpf ole, %parallel_loop3A_106, %parallel_loop3A_100 : vector<16xf32>
        %parallel_loop3A_108 = arith.select %parallel_loop3A_107, %parallel_loop3A_105, %parallel_loop3A_102 : vector<16xi1>, vector<16xi32>
        %parallel_loop3A_109 = arith.constant 16 : i32
        %parallel_loop3A_110 = vector.broadcast %parallel_loop3A_109 : i32 to vector<16xi32>
        %parallel_loop3A_111 = arith.addi %parallel_loop3A_108, %parallel_loop3A_110 : vector<16xi32>
        %parallel_loop3A_112 = tpu.vector_load_idx %arg6[%parallel_loop3A_111] : memref<56xf32, #tpu.memory_space<vmem>>[vector<16xi32>], vector<16xf32>,
        %parallel_loop3A_113 = arith.cmpf ole, %parallel_loop3A_112, %parallel_loop3A_100 : vector<16xf32>
        %parallel_loop3A_114 = arith.select %parallel_loop3A_113, %parallel_loop3A_111, %parallel_loop3A_108 : vector<16xi1>, vector<16xi32>
        %parallel_loop3A_115 = arith.constant 8 : i32
        %parallel_loop3A_116 = vector.broadcast %parallel_loop3A_115 : i32 to vector<16xi32>
        %parallel_loop3A_117 = arith.addi %parallel_loop3A_114, %parallel_loop3A_116 : vector<16xi32>
        %parallel_loop3A_118 = tpu.vector_load_idx %arg6[%parallel_loop3A_117] : memref<56xf32, #tpu.memory_space<vmem>>[vector<16xi32>], vector<16xf32>,
        %parallel_loop3A_119 = arith.cmpf ole, %parallel_loop3A_118, %parallel_loop3A_100 : vector<16xf32>
        %parallel_loop3A_120 = arith.select %parallel_loop3A_119, %parallel_loop3A_117, %parallel_loop3A_114 : vector<16xi1>, vector<16xi32>
        %parallel_loop3A_121 = arith.constant 4 : i32
        %parallel_loop3A_122 = vector.broadcast %parallel_loop3A_121 : i32 to vector<16xi32>
        %parallel_loop3A_123 = arith.addi %parallel_loop3A_120, %parallel_loop3A_122 : vector<16xi32>
        %parallel_loop3A_124 = tpu.vector_load_idx %arg6[%parallel_loop3A_123] : memref<56xf32, #tpu.memory_space<vmem>>[vector<16xi32>], vector<16xf32>,
        %parallel_loop3A_125 = arith.cmpf ole, %parallel_loop3A_124, %parallel_loop3A_100 : vector<16xf32>
        %parallel_loop3A_126 = arith.select %parallel_loop3A_125, %parallel_loop3A_123, %parallel_loop3A_120 : vector<16xi1>, vector<16xi32>
        %parallel_loop3A_127 = arith.constant 2 : i32
        %parallel_loop3A_128 = vector.broadcast %parallel_loop3A_127 : i32 to vector<16xi32>
        %parallel_loop3A_129 = arith.addi %parallel_loop3A_126, %parallel_loop3A_128 : vector<16xi32>
        %parallel_loop3A_130 = tpu.vector_load_idx %arg6[%parallel_loop3A_129] : memref<56xf32, #tpu.memory_space<vmem>>[vector<16xi32>], vector<16xf32>,
        %parallel_loop3A_131 = arith.cmpf ole, %parallel_loop3A_130, %parallel_loop3A_100 : vector<16xf32>
        %parallel_loop3A_132 = arith.select %parallel_loop3A_131, %parallel_loop3A_129, %parallel_loop3A_126 : vector<16xi1>, vector<16xi32>
        %parallel_loop3A_133 = arith.constant 1 : i32
        %parallel_loop3A_134 = vector.broadcast %parallel_loop3A_133 : i32 to vector<16xi32>
        %parallel_loop3A_135 = arith.addi %parallel_loop3A_132, %parallel_loop3A_134 : vector<16xi32>
        %parallel_loop3A_136 = tpu.vector_load_idx %arg6[%parallel_loop3A_135] : memref<56xf32, #tpu.memory_space<vmem>>[vector<16xi32>], vector<16xf32>,
        %parallel_loop3A_137 = arith.cmpf ole, %parallel_loop3A_136, %parallel_loop3A_100 : vector<16xf32>
        %parallel_loop3A_138 = arith.select %parallel_loop3A_137, %parallel_loop3A_135, %parallel_loop3A_132 : vector<16xi1>, vector<16xi32>
        %parallel_loop3A_139 = tpu.vector_load_idx %arg7[%parallel_loop3A_138] : memref<40xf32, #tpu.memory_space<vmem>>[vector<16xi32>], vector<16xf32>,
        %parallel_loop3A_140 = tpu.vector_load_idx %arg8[%parallel_loop3A_138] : memref<40xf32, #tpu.memory_space<vmem>>[vector<16xi32>], vector<16xf32>,
        %parallel_loop3A_141 = tpu.vector_load_idx %arg9[%parallel_loop3A_138] : memref<40xf32, #tpu.memory_space<vmem>>[vector<16xi32>], vector<16xf32>,
        %parallel_loop3A_142 = tpu.vector_load_idx %arg10[%parallel_loop3A_138] : memref<40xf32, #tpu.memory_space<vmem>>[vector<16xi32>], vector<16xf32>,
        %parallel_loop3A_143 = tpu.vector_load_idx %arg11[%parallel_loop3A_138] : memref<40xf32, #tpu.memory_space<vmem>>[vector<16xi32>], vector<16xf32>,
        %parallel_loop3A_144 = tpu.vector_load_idx %arg12[%parallel_loop3A_138] : memref<40xf32, #tpu.memory_space<vmem>>[vector<16xi32>], vector<16xf32>,
        %parallel_loop3A_145 = arith.mulf %parallel_loop3A_139, %parallel_loop3A_100 : vector<16xf32>
        %parallel_loop3A_146 = arith.addf %parallel_loop3A_145, %parallel_loop3A_140 : vector<16xf32>
        %parallel_loop3A_147 = arith.mulf %parallel_loop3A_146, %parallel_loop3A_100 : vector<16xf32>
        %parallel_loop3A_148 = arith.addf %parallel_loop3A_147, %parallel_loop3A_141 : vector<16xf32>
        %parallel_loop3A_149 = arith.mulf %parallel_loop3A_142, %parallel_loop3A_100 : vector<16xf32>
        %parallel_loop3A_150 = arith.addf %parallel_loop3A_149, %parallel_loop3A_143 : vector<16xf32>
        %parallel_loop3A_151 = arith.mulf %parallel_loop3A_150, %parallel_loop3A_100 : vector<16xf32>
        %parallel_loop3A_152 = arith.addf %parallel_loop3A_151, %parallel_loop3A_144 : vector<16xf32>
        %parallel_loop3A_153 = arith.divf %parallel_loop3A_148, %parallel_loop3A_152 : vector<16xf32>
        %parallel_loop3A_154 = arith.index_cast %parallel_loop3A_95 : i32 to index
        %parallel_loop3A_155 = arith.index_cast %parallel_loop3A_97 : i32 to index
        %parallel_loop3A_156 = tpu.vector_load %arg16[%parallel_loop3A_154, %parallel_loop3A_155] {strides = array<i32>} : memref<8x2048xf32, #tpu.memory_space<vmem>>, vector<16xf32>,
        tpu.vector_store %arg16[%parallel_loop3A_154, %parallel_loop3A_155], %parallel_loop3A_153 {strides = array<i32>} : memref<8x2048xf32, #tpu.memory_space<vmem>>, vector<16xf32>,
      } {sc.loop_unroll_factor = 8 : i64, sc.parallel_access}
      %mul3A_81 = arith.constant 8 : i32
      %mul3A_82 = arith.muli %add3A_65, %mul3A_81 : i32
      %add3A_83 = arith.addi %mul3A_2, %mul3A_82 : i32
      %dma_start3A_84 = arith.constant 0 : i32
      %dma_start3A_85 = tpu.memref_slice %arg5[%add3A_83, %dma_start3A_84] : memref<16384x2048xf32, #tpu.memory_space<hbm>> -> memref<8x2048xf32, #tpu.memory_space<hbm>>
      %dma_start3A_86 = arith.constant 0 : i32
      %dma_start3A_87 = tpu.memref_slice %arg5[%add3A_83, %dma_start3A_86] : memref<16384x2048xf32, #tpu.memory_space<hbm>> -> memref<8x2048xf32, #tpu.memory_space<hbm>>
      tpu.enqueue_dma source(%arg16 : memref<8x2048xf32, #tpu.memory_space<vmem>>) target(%dma_start3A_87 : memref<8x2048xf32, #tpu.memory_space<hbm>>) target_semaphore(%arg20 : memref<!tpu.dma_semaphore, #tpu.memory_space<semaphore_mem>>)
      %lt3A_88 = arith.constant 31 : i32
      %lt3A_89 = arith.cmpi slt, %scan3A_35, %lt3A_88 : i32
      %convert_element_type3A_90 = arith.extui %lt3A_89 : i1 to i32
      %cond3A_91 = arith.constant 0 : i32
      %cond3A_92 = arith.cmpi ne, %convert_element_type3A_90, %cond3A_91 : i32
      scf.if %cond3A_92 {
        %add3A_93 = arith.constant 2 : i32
        %add3A_94 = arith.addi %add3A_65, %add3A_93 : i32
        %mul3A_95 = arith.constant 8 : i32
        %mul3A_96 = arith.muli %add3A_94, %mul3A_95 : i32
        %add3A_97 = arith.addi %mul3A_2, %mul3A_96 : i32
        %dma_start3A_98 = arith.constant 0 : i32
        %dma_start3A_99 = tpu.memref_slice %arg2[%add3A_97, %dma_start3A_98] : memref<16384x2048xf32, #tpu.memory_space<hbm>> -> memref<8x2048xf32, #tpu.memory_space<hbm>>
        %dma_start3A_100 = arith.constant 0 : i32
        %dma_start3A_101 = tpu.memref_slice %arg2[%add3A_97, %dma_start3A_100] : memref<16384x2048xf32, #tpu.memory_space<hbm>> -> memref<8x2048xf32, #tpu.memory_space<hbm>>
        tpu.enqueue_dma source(%dma_start3A_101 : memref<8x2048xf32, #tpu.memory_space<hbm>>) target(%arg14 : memref<8x2048xf32, #tpu.memory_space<vmem>>) target_semaphore(%arg18 : memref<!tpu.dma_semaphore, #tpu.memory_space<semaphore_mem>>)
      } else {
      }
    }
    %scan3A_23 = arith.constant 32 : i32
    %add3A_24 = arith.constant 496 : i32
    %add3A_25 = arith.addi %mul3A_2, %add3A_24 : i32
    %dma_wait3A = arith.constant 0 : i32
    %dma_wait3A_26 = tpu.memref_slice %arg5[%add3A_25, %dma_wait3A] : memref<16384x2048xf32, #tpu.memory_space<hbm>> -> memref<8x2048xf32, #tpu.memory_space<hbm>>
    %dma_wait3A_27 = arith.constant 0 : i32
    %dma_wait3A_28 = tpu.memref_slice %arg5[%add3A_25, %dma_wait3A_27] : memref<16384x2048xf32, #tpu.memory_space<hbm>> -> memref<8x2048xf32, #tpu.memory_space<hbm>>
    tpu.wait_dma2 semaphore(%arg19 : memref<!tpu.dma_semaphore, #tpu.memory_space<semaphore_mem>>) src(%arg15 : memref<8x2048xf32, #tpu.memory_space<vmem>>) dst(%dma_wait3A_28 : memref<8x2048xf32, #tpu.memory_space<hbm>>)
    %add3A_29 = arith.constant 504 : i32
    %add3A_30 = arith.addi %mul3A_2, %add3A_29 : i32
    %dma_wait3A_31 = arith.constant 0 : i32
    %dma_wait3A_32 = tpu.memref_slice %arg5[%add3A_30, %dma_wait3A_31] : memref<16384x2048xf32, #tpu.memory_space<hbm>> -> memref<8x2048xf32, #tpu.memory_space<hbm>>
    %dma_wait3A_33 = arith.constant 0 : i32
    %dma_wait3A_34 = tpu.memref_slice %arg5[%add3A_30, %dma_wait3A_33] : memref<16384x2048xf32, #tpu.memory_space<hbm>> -> memref<8x2048xf32, #tpu.memory_space<hbm>>
    tpu.wait_dma2 semaphore(%arg20 : memref<!tpu.dma_semaphore, #tpu.memory_space<semaphore_mem>>) src(%arg16 : memref<8x2048xf32, #tpu.memory_space<vmem>>) dst(%dma_wait3A_34 : memref<8x2048xf32, #tpu.memory_space<hbm>>)
    return
  }
}

</mosaic_0001>

<sc_bundles>
// kernel: _sc_spline.3.cloned.1.call-start
scs
__scs_entry_jumppad:
0x0: {  	(pc) =	sbr.rel $0x88, $3  }
0x1: {  	(tag) =	ssettag $0x0;
	lr =	simm.s32 $0x1  }
0x2: {  	[smem:$0x3F9E] =	sst lr;
	_ =	strace $0xD0000000  }
0x3: {  	_ = 	snop  }
0x4: {  	_ = 	snop  }
0x5: {  	_ = 	snop  }
0x6: {  	_ = 	snop  }
0x7: {  	_ = 	snop  }
__scs_overlays_trampoline_lowered:
0x8: {  	[smem:$0x3FAD] =	sst s0  }
0x9: {  	[smem:$0x3FAE] =	sst s1  }
0xa: {  	[smem:$0x3FAF] =	sst s2  }
0xb: {  	[smem:$0x3FB0] =	sst s3  }
0xc: {  	[smem:$0x3FB1] =	sst s4  }
0xd: {  	[smem:$0x3FB2] =	sst s5  }
0xe: {  	[smem:$0x3FB3] =	sst s6  }
0xf: {  	[smem:$0x3FB4] =	sst s7  }
0x10: {  	[smem:$0x3FB5] =	sst s8  }
0x11: {  	[smem:$0x3FB6] =	sst s9;
	s0 =	simm.s32 @!p0 $0x0  }
0x12: {  	s1 =	sld [smem:$0x3F9C];
	s0 =	simm.s32 @p0 $0x1  }
0x13: {  	[smem:$0x3FB7] =	sst s0;
	s0 =	simm.s32 @!p1 $0x0  }
0x14: {  	s2 =	sld [smem:$0x3F9B];
	s0 =	simm.s32 @p1 $0x1  }
0x15: {  	[smem:$0x3FB8] =	sst s0;
	s0 =	simm.s32 @!p2 $0x0  }
0x16: {  	s3 =	sld [smem:$0x3FDB];
	s0 =	simm.s32 @p2 $0x1  }
0x17: {  	s4 =	simm.s32 $0x1BF5;
	[smem:$0x3FBA] =	sst s0  }
0x18: {  	s0 =	sld [smem:$0x3F9D];
	_ =	swait.ge [sflag:s4], $0x0  }
0x19: {  	s7 =	sld [smem:$0x3F9E]  }
0x1a: {  	s8 =	sadd.s32 $0xFFFFE003, lr  }
0x1b: {  	s9 =	sadd.s32 $0xFFFFFEF7, lr;
	s5 =	simm.s32 $0xFFFFFFFF;
	p2 =	slt.u32 s8, $0xFFFFF086  }
0x1c: {  	p1 =	slt.u32 s9, $0xF7A;
	s5 =	simm.s32 @!p2 $0x0  }
0x1d: {  	s5 =	simm.s32 @p1 $0x1;
	p0 =	seq.s32 s7, s2  }
0x1e: {  	s7 =	smul.u32 @!p0 $0xF7A, s2;
	p2 =	seq.s32 @!p0 s5, $0x0  }
0x1f: {  	s9 =	smul.u32 $0xF7A, s1;
	s8 =	simm.s32 @!p0 $0x1BF5;
	p2 =	por !p2, p0  }
0x20: {  	[sflag:s8] =	ssyncset.s32 @!p0 $0xFFFFF086;
	s6 =	sadd.s32 @!p0 s3, s7;
	s7 =	simm.s32 @!p0 $0x108  }
0x21: {  	s3 =	sadd.s32 s3, s9;
	s6 =	sadd.s32 @!p0 $0x88, s6;
	s7 =	simm.s32 @p2 $0x1082  }
0x22: {  	[simem:s7], [sflag:s8] =	dma.local @!p0 [hbm:s6], $0xF7A  }
0x23: {  	s9 =	sor.u32 $0xD0000000, s2;
	s6 =	simm.s32 $0x108;
	_ =	swait.ge @!p0 [sflag:s8], $0x0  }
0x24: {  	s3 =	sadd.s32 $0x88, s3;
	s6 =	simm.s32 @!p1 $0x1082;
	[sflag:s4] =	ssyncset.s32 $0xFFFFF086  }
0x25: {  	[simem:s6], [sflag:s4] =	dma.local [hbm:s3], $0xF7A  }
0x26: {  	[smem:$0x3F9E] =	sst s1;
	(tag) =	ssettag s2;
	_ =	strace s9  }
0x27: {  	s1 =	sld [smem:$0x3FAE]  }
0x28: {  	s2 =	sld [smem:$0x3FAF]  }
0x29: {  	s4 =	sld [smem:$0x3FB1]  }
0x2a: {  	p0 =	seq.s32 s5, $0x0;
	s5 =	sld [smem:$0x3FB2]  }
0x2b: {  	s6 =	sld [smem:$0x3FB3]  }
0x2c: {  	s7 =	sld [smem:$0x3FB4]  }
0x2d: {  	s3 =	simm.s32 $0x108;
	s8 =	sld [smem:$0x3FB5]  }
0x2e: {  	s3 =	simm.s32 @!p0 $0x1082;
	s9 =	sld [smem:$0x3FB6]  }
0x2f: {  	lr =	sadd.s32 s0, s3;
	s0 =	sld [smem:$0x3FAD]  }
0x30: {  	s3 =	sld [smem:$0x3FB0]  }
0x31: {  	[smem:$0x3FB9] =	sst s10  }
0x32: {  	s10 =	sld [smem:$0x3FB7];
	_ =	sdelay $0x3  }
0x33: {  	p0 =	seq.s32 s10, $0x1;
	s10 =	sld [smem:$0x3FB9];
	_ =	sdelay $0x3  }
0x34: {  	[smem:$0x3FB9] =	sst s10  }
0x35: {  	s10 =	sld [smem:$0x3FB8];
	_ =	sdelay $0x3  }
0x36: {  	p1 =	seq.s32 s10, $0x1;
	s10 =	sld [smem:$0x3FB9];
	_ =	sdelay $0x3  }
0x37: {  	[smem:$0x3FB9] =	sst s10  }
0x38: {  	s10 =	sld [smem:$0x3FBA]  }
0x39: {  	_ = 	snop;
	(pc) =	sbr.ind lr, $3  }
0x3a: {  	_ = 	snop  }
0x3b: {  	_ = 	snop  }
0x3c: {  	p2 =	seq.s32 s10, $0x1;
	s10 =	sld [smem:$0x3FB9]  }
0x3d: {  	_ =	shalt  }
0x3e: {  	_ =	shalt  }
0x3f: {  	_ =	shalt  }
0x40: {  	_ =	shalt  }
0x41: {  	_ =	shalt  }
0x42: {  	_ =	shalt  }
0x43: {  	_ =	shalt  }
0x44: {  	_ =	shalt  }
0x45: {  	_ =	shalt  }
0x46: {  	_ =	shalt  }
0x47: {  	_ =	shalt  }
0x48: {  	_ =	shalt  }
0x49: {  	_ =	shalt  }
0x4a: {  	_ =	shalt  }
0x4b: {  	_ =	shalt  }
0x4c: {  	_ =	shalt  }
0x4d: {  	_ =	shalt  }
0x4e: {  	_ =	shalt  }
0x4f: {  	_ =	shalt  }
0x50: {  	_ =	shalt  }
0x51: {  	_ =	shalt  }
0x52: {  	_ =	shalt  }
0x53: {  	_ =	shalt  }
0x54: {  	_ =	shalt  }
0x55: {  	_ =	shalt  }
0x56: {  	_ =	shalt  }
0x57: {  	_ =	shalt  }
0x58: {  	_ =	shalt  }
0x59: {  	_ =	shalt  }
0x5a: {  	_ =	shalt  }
0x5b: {  	_ =	shalt  }
0x5c: {  	_ =	shalt  }
0x5d: {  	_ =	shalt  }
0x5e: {  	_ =	shalt  }
0x5f: {  	_ =	shalt  }
0x60: {  	_ =	shalt  }
0x61: {  	_ =	shalt  }
0x62: {  	_ =	shalt  }
0x63: {  	_ =	shalt  }
0x64: {  	_ =	shalt  }
0x65: {  	_ =	shalt  }
0x66: {  	_ =	shalt  }
0x67: {  	_ =	shalt  }
0x68: {  	_ =	shalt  }
0x69: {  	_ =	shalt  }
0x6a: {  	_ =	shalt  }
0x6b: {  	_ =	shalt  }
0x6c: {  	_ =	shalt  }
0x6d: {  	_ =	shalt  }
0x6e: {  	_ =	shalt  }
0x6f: {  	_ =	shalt  }
0x70: {  	_ =	shalt  }
0x71: {  	_ =	shalt  }
0x72: {  	_ =	shalt  }
0x73: {  	_ =	shalt  }
0x74: {  	_ =	shalt  }
0x75: {  	_ =	shalt  }
0x76: {  	_ =	shalt  }
0x77: {  	_ =	shalt  }
0x78: {  	_ =	shalt  }
0x79: {  	_ =	shalt  }
0x7a: {  	_ =	shalt  }
0x7b: {  	_ =	shalt  }
0x7c: {  	_ =	shalt  }
0x7d: {  	_ =	shalt  }
0x7e: {  	_ =	shalt  }
0x7f: {  	_ =	shalt  }
0x80: {  	_ =	shalt  }
0x81: {  	_ =	shalt  }
0x82: {  	_ =	shalt  }
0x83: {  	_ =	shalt  }
0x84: {  	_ =	shalt  }
0x85: {  	_ =	shalt  }
0x86: {  	_ =	shalt  }
0x87: {  	_ =	shalt  }
.Lfunc_end0:
.L_simem_size_0:
called_computation_lowered:
.L_overlay_start_0:
0x88: {  	s2 =	sld [smem:$0x3FD9]  }
0x89: {  	s3 =	sld [smem:$0x3FFE];
	_ =	sdelay $0x1  }
0x8a: {  	s1 =	srdreg.scid  }
0x8b: {  	s0 =	sand.u32 $0x1, s1  }
0x8c: {  	s18 =	sshll.u32 s0, $0xA;
	s2 =	sadd.s32 s3, s2  }
0x8d: {  	s2 =	sadd.s32 s2, s18  }
0x8e: {  	[smem:$0x3FC5] =	sst s2  }
0x8f: {  	_ = 	snop  }
0x90: {  	s2 =	sld [smem:$0x3FC9]  }
0x91: {  	s19 =	sld [smem:$0x3FC8]  }
0x92: {  	s4 =	sld [smem:$0x3FC7]  }
0x93: {  	s5 =	sld [smem:$0x3FD0];
	(tm) =	ssettm $0x1  }
0x94: {  	s6 =	sld [smem:$0x3FFB];
	_ =	sdelay $0x3  }
0x95: {  	_ =	strace s6  }
0x96: {  	s6 =	sld [smem:$0x3FFC];
	_ =	sdelay $0x3  }
0x97: {  	_ =	strace s6  }
0x98: {  	s6 =	sld [smem:$0x3FFD];
	_ =	sdelay $0x3  }
0x99: {  	_ =	strace s6  }
0x9a: {  	_ =	strace $0x8FFFFFFF  }
0x9b: {  	s20 =	sld [smem:$0x3FDB];
	_ =	sdelay $0x1  }
0x9c: {  	s7 =	simm.s32 $_scs_section_size  }
0x9d: {  	s8 =	simm.s32 $_size__tile_overlayer_lowered;
	s9 =	simm.s32 $_tile_overlayer_lowered  }
0x9e: {  	s23 =	simm.s32 $0x1BFF;
	s22 =	sshll.u32 s9, $0x1;
	s6 =	sadd.s32 s7, s20  }
0x9f: {  	s10 =	simm.s32 $0x0;
	s21 =	sshll.u32 s8, $0x1;
	s8 =	sadd.s32 s22, s6  }
0xa0: {  	[timem:s10], [sflag:s23] =	dma.local [hbm:s8], s21  }
0xa1: {  	_ =	swait.ge [sflag:s23], s21  }
0xa2: {  	s7 =	ssub.s32 $0x0, s21;
	[sflag:s23] =	ssyncset.done $0x0  }
0xa3: {  	[sflag:s23] =	ssyncadd.s32 s7;
	_ =	sdelay $0x1  }
0xa4: {  	s24 =	simm.s32 $0x1B8B  }
0xa5: {  	_ =	swait.ge [sflag:s24], $0x1  }
0xa6: {  	[sflag:s24] =	ssyncset.done $0x0  }
0xa7: {  	s25 =	simm.s32 $0x1B8E;
	[sflag:s24] =	ssyncadd.s32 $0xFFFFFFFF  }
0xa8: {  	s26 =	simm.s32 $execute0_lowered;
	[smem:$0x3FD2] =	sst s25  }
0xa9: {  	s7 =	sshll.u32 s26, $0x1;
	_ =	strace $0x80000046;
	[dreg:$0x1] =	wrdreg $0xFFFFFFFF  }
0xaa: {  	s28 =	simm.s32 $_size_execute0_lowered;
	s6 =	sadd.s32 s6, s7;
	[dreg:$0x0] =	wrdreg $0x0  }
0xab: {  	s7 =	sshll.u32 s28, $0x1;
	[dreg:$0x2] =	wrdreg s6  }
0xac: {  	[dreg:$0x3] =	wrdreg s7  }
0xad: {  	[dreg:$0x4] =	wrdreg $0xC0  }
0xae: {  	_ =	task [dreg:s10], $0x5FFFF  }
0xaf: {  	[dreg:$0x1] =	wrdreg $0xFFFFFFFF  }
0xb0: {  	[dreg:$0x0] =	wrdreg $0x60  }
0xb1: {  	[dreg:$0x2] =	wrdreg s2  }
0xb2: {  	[dreg:$0x3] =	wrdreg s19  }
0xb3: {  	[dreg:$0x4] =	wrdreg s4  }
0xb4: {  	[dreg:$0x5] =	wrdreg s5  }
0xb5: {  	[dreg:$0x6] =	wrdreg $0x9  }
0xb6: {  	_ =	task.clear_ibuf [dreg:s10], $0x7FFFF;
	_ =	strace $0x90000046  }
0xb7: {  	s29 =	simm.s32 $0x9;
	_ =	strace $0x80000048  }
0xb8: {  	_ =	swait.ge [sflag:s29], $0x1  }
0xb9: {  	[sflag:s29] =	ssyncadd.s32 $0xFFFFFFFF  }
0xba: {  	_ =	strace $0x90000048  }
0xbb: {  	_ =	sfence  }
0xbc: {  	s30 =	sld [smem:$0x0];
	_ =	sdelay $0x2  }
0xbd: {  	s31 =	sshll.u32 s1, $0xD;
	s1 =	sshrl.u32 s1, $0x2  }
0xbe: {  	s3 =	sand.u32 $0x4000, s31;
	s1 =	sadd.s32 s1, s30  }
0xbf: {  	s0 =	sor.u32 s3, s0;
	s1 =	sshll.u32 s1, $0x11  }
0xc0: {  	s0 =	sor.u32 s1, s0  }
0xc1: {  	s0 =	sadd.s32 $0x8F2B, s0  }
0xc2: {  	[sflag:s0] =	ssyncadd.remote.s32 $0x1  }
0xc3: {  	_ =	sfence.sel $0xFFFF  }
0xc4: {  	[dreg:$0x0] =	wrdreg $0xFFFFFFFF;
	(pc) =	sbr.abs _section_cstart, $3  }
0xc5: {  	[dreg:$0x1] =	wrdreg $0xFFFFFFFF  }
0xc6: {  	_ =	task.clear_ibuf [dreg:s10], $0x2FFFF;
	_ =	strace $0x9FFFFFFF  }
0xc7: {  	(tm) =	ssettm $0x7FFFFFFF  }
tec
execute0_lowered:
.L_overlay_start_1:
0x0: {  	(tag) =	ssettag $0x1  }
0x1: {  	s1 =	rddreg [dreg:$0x0]  }
0x2: {  	s8 =	rddreg [dreg:$0x2]  }
0x3: {  	s4 =	rddreg [dreg:$0x3]  }
0x4: {  	s5 =	simm.s32 $0x0;
	s0 =	srdreg.scid;
	s6 =	stileid.u32  }
0x5: {  	s28 =	simm.s32 $0x4380;
	s29 =	simm.s32 $0x1;
	s30 =	simm.s32 $0x8380  }
0x6: {  	s31 =	simm.s32 $0x2;
	[smem:$0x7FF] =	sst s5;
	s19 =	sadd.s32 $0x10, s8  }
0x7: {  	s20 =	sadd.s32 $0x20, s8;
	_ =	strace $0x80000047;
	[dreg:$0x5] =	wrdreg s19  }
0x8: {  	s0 =	sand.u32 $0x1, s0;
	s21 =	sadd.s32 $0x30, s8;
	[dreg:$0x6] =	wrdreg s20  }
0x9: {  	s6 =	sshll.u32 s6, $0xA;
	s23 =	sadd.s32 $0x40, s8;
	[dreg:$0x7] =	wrdreg s21  }
0xa: {  	s24 =	sadd.s32 $0x50, s8;
	s2 =	ssub.s32 $0x2, s0;
	[dreg:$0x8] =	wrdreg s23  }
0xb: {  	s0 =	sshll.u32 s0, $0x9;
	[dreg:$0x9] =	wrdreg s24;
	s19 =	simm.s32 $0x5  }
0xc: {  	s20 =	simm.s32 $0x80;
	s21 =	simm.s32 $0x100;
	s23 =	simm.s32 $0x200  }
0xd: {  	s24 =	simm.s32 $0x280;
	s3 =	sshrl.u32 s2, $0x1;
	s7 =	sor.u32 s0, s6  }
0xe: {  	s0 =	simm.s32 $0xC380;
	s6 =	simm.s32 $0x3;
	s2 =	ssub.s32 s2, s3  }
.Ltmp0:
0xf: {  	s22 =	sshll.u32 s7, $0x8;
	s16 =	sor.u32 $0x10, s7;
	(pc) =	sbr.rel .LBB2_1-.Ltmp0, $4  }
0x10: {  	v0 =	vimm.s32 $0x20;
	s17 =	sor.u32 $0x18, s7;
	s25 =	sadd.s32 s1, s22;
	s15 =	sadd.s32 s4, s22  }
0x11: {  	s26 =	smax.u32 s2, $0x1;
	s22 =	simm.s32 $0x180;
	[dreg:$0xa] =	wrdreg s25  }
0x12: {  	s2 =	simm.s32 $0x4;
	s3 =	sadd.s32 $0x800, s25;
	[dreg:$0xc] =	wrdreg s26  }
0x13: {  	v1 =	vimm.s32 $0x0;
	s25 =	simm.s32 $0x300;
	s26 =	simm.s32 $0x0;
	[dreg:$0xb] =	wrdreg s3  }
.LBB2_8:
0x14: {  	_ =	swait.ge [sflag:s6], $0x4000  }
0x15: {  	[sflag:s6] =	ssyncset.done $0x0  }
0x16: {  	[sflag:s6] =	ssyncadd.s32 $0xFFFFC000  }
0x17: {  	_ =	swait.ge [sflag:s2], $0x4000  }
0x18: {  	s26 =	sadd.s32 $0x1, s26;
	s3 =	rddreg [dreg:$0xc]  }
0x19: {  	p0 =	sne.s32 s26, s3  }
.Ltmp1:
0x1a: {  	_ = 	snop;
	(pc) =	sbr.rel @!p0 .LBB2_9-.Ltmp1, $3  }
0x1b: {  	_ =	sdelay $0x1  }
0x1c: {  	[sflag:s2] =	ssyncset.done $0x0  }
0x1d: {  	[sflag:s2] =	ssyncadd.s32 $0xFFFFC000  }
.LBB2_1:
0x1e: {  	s3 =	rddreg [dreg:$0x1]  }
0x1f: {  	[tilespmem:s5], [sflag:$0x5] =	stream.linear.gather [hbm4b:s3+s5], $0x80, $0x38;
	[tilespmem:$0x10380] =	vst v63  }
0x20: {  	_ =	swait.ge [sflag:s19], $0x80  }
0x21: {  	[sflag:s19] =	ssyncset.done $0x0  }
0x22: {  	[sflag:s19] =	ssyncadd.s32 $0xFFFFFF80  }
0x23: {  	s8 =	rddreg [dreg:$0x2]  }
0x24: {  	[tilespmem:s20], [sflag:$0x5] =	stream.linear.gather [hbm4b:s8+s5], $0x80, $0x38;
	[tilespmem:$0x10380] =	vst v63  }
0x25: {  	_ =	swait.ge [sflag:s19], $0x80  }
0x26: {  	[sflag:s19] =	ssyncset.done $0x0  }
0x27: {  	s9 =	rddreg [dreg:$0x5];
	[sflag:s19] =	ssyncadd.s32 $0xFFFFFF80  }
0x28: {  	[tilespmem:s21], [sflag:$0x5] =	stream.linear.gather [hbm4b:s9+s5], $0x80, $0x38;
	[tilespmem:$0x10380] =	vst v63  }
0x29: {  	_ =	swait.ge [sflag:s19], $0x80  }
0x2a: {  	[sflag:s19] =	ssyncset.done $0x0  }
0x2b: {  	s10 =	rddreg [dreg:$0x6];
	[sflag:s19] =	ssyncadd.s32 $0xFFFFFF80  }
0x2c: {  	[tilespmem:s22], [sflag:$0x5] =	stream.linear.gather [hbm4b:s10+s5], $0x80, $0x38;
	[tilespmem:$0x10380] =	vst v63  }
0x2d: {  	_ =	swait.ge [sflag:s19], $0x80  }
0x2e: {  	[sflag:s19] =	ssyncset.done $0x0  }
0x2f: {  	s11 =	rddreg [dreg:$0x7];
	[sflag:s19] =	ssyncadd.s32 $0xFFFFFF80  }
0x30: {  	[tilespmem:s23], [sflag:$0x5] =	stream.linear.gather [hbm4b:s11+s5], $0x80, $0x38;
	[tilespmem:$0x10380] =	vst v63  }
0x31: {  	_ =	swait.ge [sflag:s19], $0x80  }
0x32: {  	[sflag:s19] =	ssyncset.done $0x0  }
0x33: {  	s12 =	rddreg [dreg:$0x8];
	[sflag:s19] =	ssyncadd.s32 $0xFFFFFF80  }
0x34: {  	[tilespmem:s24], [sflag:$0x5] =	stream.linear.gather [hbm4b:s12+s5], $0x80, $0x38;
	[tilespmem:$0x10380] =	vst v63  }
0x35: {  	_ =	swait.ge [sflag:s19], $0x80  }
0x36: {  	[sflag:s19] =	ssyncset.done $0x0  }
0x37: {  	s13 =	rddreg [dreg:$0x9];
	[sflag:s19] =	ssyncadd.s32 $0xFFFFFF80  }
0x38: {  	[tilespmem:s25], [sflag:$0x5] =	stream.linear.gather [hbm4b:s13+s5], $0x80, $0x38;
	[tilespmem:$0x10380] =	vst v63  }
0x39: {  	_ =	swait.ge [sflag:s19], $0x80  }
0x3a: {  	[sflag:s19] =	ssyncset.done $0x0  }
0x3b: {  	s8 =	simm.s32 $0x380;
	s14 =	rddreg [dreg:$0xa];
	[sflag:s19] =	ssyncadd.s32 $0xFFFFFF80  }
0x3c: {  	[tilespmem:s8], [sflag:$0x1] =	stream.linear.gather [hbm4b:s14+s5], $0x4000, $0x38;
	[tilespmem:$0x10380] =	vst v63  }
0x3d: {  	s3 =	simm.s32 $0x0;
	s18 =	rddreg [dreg:$0xb]  }
0x3e: {  	[tilespmem:s28], [sflag:$0x2] =	stream.linear.gather [hbm4b:s18+s5], $0x4000, $0x38;
	[tilespmem:$0x10380] =	vst v63  }
.LBB2_2:
0x3f: {  	_ =	swait.ge [sflag:s29], $0x4000  }
0x40: {  	p0 =	seq.s32 s3, $0x0;
	[sflag:s29] =	ssyncset.done $0x0  }
0x41: {  	s8 =	simm.s32 @!p0 $0x3;
	[sflag:s29] =	ssyncadd.s32 $0xFFFFC000  }
0x42: {  	_ =	swait.ge @!p0 [sflag:s8], $0x4000  }
0x43: {  	s9 =	simm.s32 $0x0;
	[sflag:s8] =	ssyncset.done @!p0 $0x0  }
0x44: {  	s18 =	sand.u32 $0x3C00, s9;
	s9 =	sand.u32 $0x380, s9;
	[sflag:s8] =	ssyncadd.s32 @!p0 $0xFFFFC000  }
0x45: {  	s9 =	sor.u32 s9, s18;
	v10 =	vld.idx.msk [tilespmem:v0+s5+$0x0], $0xffff  }
0x46: {  	v9 =	vld [tilespmem:s9+$0x3F0]  }
0x47: {  	v8 =	vld [tilespmem:s9+$0x380];
	_ =	sdelay $0x1  }
0x48: {  	v6 =	vld [tilespmem:s9+$0x390]  }
0x49: {  	v5 =	vld [tilespmem:s9+$0x3A0]  }
0x4a: {  	v4 =	vld [tilespmem:s9+$0x3B0];
	vm0 =	vle.f32 v10, v9  }
0x4b: {  	v3 =	vld [tilespmem:s9+$0x3D0];
	vm1 =	vle.f32 v10, v8;
	v11 =	vsel vm0, $0x20, v1  }
0x4c: {  	v7 =	vld [tilespmem:s9+$0x3C0];
	v12 =	vsel vm1, $0x20, v1;
	v13 =	vor.u32 $0x10, v11  }
0x4d: {  	v2 =	vld [tilespmem:s9+$0x3E0];
	vm6 =	vle.f32 v10, v6;
	v14 =	vor.u32 $0x10, v12  }
0x4e: {  	vm7 =	vle.f32 v10, v5;
	v15 =	vsel vm6, $0x20, v1  }
0x4f: {  	vm8 =	vle.f32 v10, v4;
	v17 =	vsel vm7, $0x20, v1;
	v16 =	vor.u32 $0x10, v15  }
0x50: {  	vm10 =	vle.f32 v10, v3;
	v19 =	vsel vm8, $0x20, v1;
	v18 =	vor.u32 $0x10, v17  }
0x51: {  	vm9 =	vle.f32 v10, v7;
	v25 =	vsel vm10, $0x20, v1;
	v20 =	vor.u32 $0x10, v19;
	v21 =	vld.idx.msk [tilespmem:v13+s5+$0x0], $0xffff  }
0x52: {  	vm11 =	vle.f32 v10, v2;
	v22 =	vsel vm9, $0x20, v1;
	v10 =	vor.u32 $0x10, v25;
	v23 =	vld.idx.msk [tilespmem:v14+s5+$0x0], $0xffff  }
0x53: {  	v24 =	vor.u32 $0x10, v22  }
0x54: {  	v26 =	vsel vm11, $0x20, v1;
	v27 =	vld.idx.msk [tilespmem:v16+s5+$0x0], $0xffff  }
0x55: {  	v28 =	vor.u32 $0x10, v26;
	v29 =	vld.idx.msk [tilespmem:v18+s5+$0x0], $0xffff  }
0x56: {  	v30 =	vld.idx.msk [tilespmem:v20+s5+$0x0], $0xffff;
	vm12 =	vle.f32 v21, v9  }
0x57: {  	vm13 =	vle.f32 v23, v8;
	v21 =	vld.idx.msk [tilespmem:v10+s5+$0x0], $0xffff;
	v11 =	vsel vm12, v13, v11  }
0x58: {  	v13 =	vld.idx.msk [tilespmem:v24+s5+$0x0], $0xffff;
	v12 =	vsel vm13, v14, v12;
	v14 =	vor.u32 $0x8, v11  }
0x59: {  	vm14 =	vle.f32 v27, v6;
	v23 =	vor.u32 $0x8, v12  }
0x5a: {  	v27 =	vld.idx.msk [tilespmem:v28+s5+$0x0], $0xffff;
	vm15 =	vle.f32 v29, v5;
	v15 =	vsel vm14, v16, v15  }
0x5b: {  	vm4 =	vle.f32 v30, v4;
	v17 =	vsel vm15, v18, v17;
	v16 =	vor.u32 $0x8, v15  }
0x5c: {  	v19 =	vsel vm4, v20, v19;
	v18 =	vor.u32 $0x8, v17;
	vm6 =	vle.f32 v21, v3  }
0x5d: {  	vm5 =	vle.f32 v13, v7;
	v13 =	vor.u32 $0x8, v19;
	v10 =	vsel vm6, v10, v25;
	v20 =	vld.idx.msk [tilespmem:v14+s5+$0x0], $0xffff  }
0x5e: {  	v22 =	vsel vm5, v24, v22;
	v21 =	vld.idx.msk [tilespmem:v23+s5+$0x0], $0xffff;
	v25 =	vor.u32 $0x8, v10  }
0x5f: {  	vm7 =	vle.f32 v27, v2;
	v24 =	vor.u32 $0x8, v22  }
0x60: {  	v26 =	vsel vm7, v28, v26;
	v27 =	vld.idx.msk [tilespmem:v16+s5+$0x0], $0xffff  }
0x61: {  	v28 =	vor.u32 $0x8, v26;
	v29 =	vld.idx.msk [tilespmem:v18+s5+$0x0], $0xffff  }
0x62: {  	v30 =	vld.idx.msk [tilespmem:v13+s5+$0x0], $0xffff;
	vm8 =	vle.f32 v20, v9  }
0x63: {  	vm9 =	vle.f32 v21, v8;
	v21 =	vld.idx.msk [tilespmem:v25+s5+$0x0], $0xffff;
	v11 =	vsel vm8, v14, v11  }
0x64: {  	v14 =	vld.idx.msk [tilespmem:v24+s5+$0x0], $0xffff;
	v12 =	vsel vm9, v23, v12;
	v20 =	vor.u32 $0x4, v11  }
0x65: {  	vm10 =	vle.f32 v27, v6;
	v23 =	vor.u32 $0x4, v12  }
0x66: {  	v27 =	vld.idx.msk [tilespmem:v28+s5+$0x0], $0xffff;
	vm11 =	vle.f32 v29, v5;
	v15 =	vsel vm10, v16, v15  }
0x67: {  	v17 =	vsel vm11, v18, v17;
	v16 =	vor.u32 $0x4, v15;
	vm12 =	vle.f32 v30, v4  }
0x68: {  	v18 =	vor.u32 $0x4, v17;
	v13 =	vsel vm12, v13, v19;
	vm14 =	vle.f32 v21, v3  }
0x69: {  	vm13 =	vle.f32 v14, v7;
	v14 =	vor.u32 $0x4, v13;
	v10 =	vsel vm14, v25, v10;
	v19 =	vld.idx.msk [tilespmem:v20+s5+$0x0], $0xffff  }
0x6a: {  	v22 =	vsel vm13, v24, v22;
	v21 =	vld.idx.msk [tilespmem:v23+s5+$0x0], $0xffff;
	v25 =	vor.u32 $0x4, v10  }
0x6b: {  	vm15 =	vle.f32 v27, v2;
	v24 =	vor.u32 $0x4, v22  }
0x6c: {  	v26 =	vsel vm15, v28, v26;
	v27 =	vld.idx.msk [tilespmem:v16+s5+$0x0], $0xffff  }
0x6d: {  	v28 =	vor.u32 $0x4, v26;
	v29 =	vld.idx.msk [tilespmem:v18+s5+$0x0], $0xffff  }
0x6e: {  	v30 =	vld.idx.msk [tilespmem:v14+s5+$0x0], $0xffff;
	vm4 =	vle.f32 v19, v9  }
0x6f: {  	vm5 =	vle.f32 v21, v8;
	v21 =	vld.idx.msk [tilespmem:v25+s5+$0x0], $0xffff;
	v11 =	vsel vm4, v20, v11  }
0x70: {  	v19 =	vld.idx.msk [tilespmem:v24+s5+$0x0], $0xffff;
	v12 =	vsel vm5, v23, v12;
	v20 =	vadd.s32 $0x2, v11  }
0x71: {  	vm6 =	vle.f32 v27, v6;
	v23 =	vadd.s32 $0x2, v12  }
0x72: {  	v27 =	vld.idx.msk [tilespmem:v28+s5+$0x0], $0xffff;
	vm7 =	vle.f32 v29, v5;
	v15 =	vsel vm6, v16, v15  }
0x73: {  	v17 =	vsel vm7, v18, v17;
	v16 =	vadd.s32 $0x2, v15  }
0x74: {  	v18 =	vadd.s32 $0x2, v17;
	vm8 =	vle.f32 v30, v4  }
0x75: {  	v13 =	vsel vm8, v14, v13;
	vm10 =	vle.f32 v21, v3;
	vm9 =	vle.f32 v19, v7;
	v19 =	vld.idx.msk [tilespmem:v20+s5+$0x0], $0xffff  }
0x76: {  	v14 =	vadd.s32 $0x2, v13;
	v10 =	vsel vm10, v25, v10;
	v21 =	vld.idx.msk [tilespmem:v23+s5+$0x0], $0xffff  }
0x77: {  	vm11 =	vle.f32 v27, v2;
	v22 =	vsel vm9, v24, v22;
	v25 =	vadd.s32 $0x2, v10  }
0x78: {  	v26 =	vsel vm11, v28, v26;
	v27 =	vld.idx.msk [tilespmem:v16+s5+$0x0], $0xffff;
	v24 =	vadd.s32 $0x2, v22  }
0x79: {  	v28 =	vadd.s32 $0x2, v26  }
0x7a: {  	v29 =	vld.idx.msk [tilespmem:v18+s5+$0x0], $0xffff;
	vm12 =	vle.f32 v19, v9  }
0x7b: {  	v30 =	vld.idx.msk [tilespmem:v14+s5+$0x0], $0xffff;
	vm13 =	vle.f32 v21, v8;
	v11 =	vsel vm12, v20, v11  }
0x7c: {  	v21 =	vld.idx.msk [tilespmem:v25+s5+$0x0], $0xffff;
	v12 =	vsel vm13, v23, v12;
	v20 =	vadd.s32 $0x1, v11  }
0x7d: {  	vm14 =	vle.f32 v27, v6;
	v19 =	vld.idx.msk [tilespmem:v24+s5+$0x0], $0xffff;
	v23 =	vadd.s32 $0x1, v12  }
0x7e: {  	v27 =	vld.idx.msk [tilespmem:v28+s5+$0x0], $0xffff;
	v16 =	vsel vm14, v16, v15  }
0x7f: {  	vm15 =	vle.f32 v29, v5;
	v29 =	vadd.s32 $0x1, v16  }
0x80: {  	v17 =	vsel vm15, v18, v17;
	vm4 =	vle.f32 v30, v4  }
0x81: {  	v18 =	vadd.s32 $0x1, v17;
	v13 =	vsel vm4, v14, v13;
	v14 =	vld.idx.msk [tilespmem:v20+s5+$0x0], $0xffff  }
0x82: {  	vm6 =	vle.f32 v21, v3;
	vm5 =	vle.f32 v19, v7;
	v15 =	vld.idx.msk [tilespmem:v23+s5+$0x0], $0xffff  }
0x83: {  	vm7 =	vle.f32 v27, v2;
	v19 =	vadd.s32 $0x1, v13;
	v22 =	vsel vm5, v24, v22  }
0x84: {  	v10 =	vsel vm6, v25, v10;
	v25 =	vsel vm7, v28, v26;
	v26 =	vld.idx.msk [tilespmem:v29+s5+$0x0], $0xffff;
	v21 =	vadd.s32 $0x1, v22  }
0x85: {  	v24 =	vadd.s32 $0x1, v10  }
0x86: {  	v27 =	vadd.s32 $0x1, v25;
	v28 =	vld.idx.msk [tilespmem:v18+s5+$0x0], $0xffff;
	vm8 =	vle.f32 v14, v9  }
0x87: {  	vm9 =	vle.f32 v15, v8;
	v31 =	vsel vm8, v20, v11  }
0x88: {  	v30 =	vld.idx.msk [tilespmem:v19+s5+$0x0], $0xffff;
	v15 =	vsel vm9, v23, v12  }
0x89: {  	vm10 =	vle.f32 v26, v6;
	v11 =	vld.idx.msk [tilespmem:v21+s5+$0x0], $0xffff  }
0x8a: {  	v20 =	vld.idx.msk [tilespmem:v24+s5+$0x0], $0xffff;
	v16 =	vsel vm10, v29, v16  }
0x8b: {  	vm11 =	vle.f32 v28, v5;
	v23 =	vld.idx.msk [tilespmem:v27+s5+$0x0], $0xffff  }
0x8c: {  	v14 =	vsel vm11, v18, v17;
	v17 =	vld.idx.msk [tilespmem:v31+s23+$0x0], $0xffff  }
0x8d: {  	vm12 =	vle.f32 v30, v4;
	v18 =	vld.idx.msk [tilespmem:v15+s23+$0x0], $0xffff  }
0x8e: {  	v13 =	vsel vm12, v19, v13;
	v19 =	vld.idx.msk [tilespmem:v31+s24+$0x0], $0xffff  }
0x8f: {  	vm14 =	vle.f32 v20, v3;
	v20 =	vld.idx.msk [tilespmem:v16+s23+$0x0], $0xffff  }
0x90: {  	v30 =	vld.idx.msk [tilespmem:v31+s20+$0x0], $0xffff  }
0x91: {  	vm13 =	vle.f32 v11, v7;
	v32 =	vld.idx.msk [tilespmem:v15+s24+$0x0], $0xffff  }
0x92: {  	vm15 =	vle.f32 v23, v2;
	v33 =	vld.idx.msk [tilespmem:v31+s21+$0x0], $0xffff;
	v12 =	vsel vm13, v21, v22;
	v17 =	vmul.f32 v17, v9  }
0x93: {  	v11 =	vsel vm14, v24, v10;
	v10 =	vsel vm15, v27, v25;
	v25 =	vld.idx.msk [tilespmem:v31+s25+$0x0], $0xffff  }
0x94: {  	v26 =	vld.idx.msk [tilespmem:v16+s24+$0x0], $0xffff;
	v17 =	vadd.f32 v19, v17  }
0x95: {  	v21 =	vld.idx.msk [tilespmem:v14+s23+$0x0], $0xffff  }
0x96: {  	v24 =	vld.idx.msk [tilespmem:v13+s23+$0x0], $0xffff;
	v17 =	vmul.f32 v17, v9  }
0x97: {  	v27 =	vld.idx.msk [tilespmem:v12+s23+$0x0], $0xffff  }
0x98: {  	v34 =	vmul.f32 v18, v8;
	v29 =	vld.idx.msk [tilespmem:v10+s23+$0x0], $0xffff;
	v18 =	vadd.f32 v17, v25  }
0x99: {  	v28 =	vld.idx.msk [tilespmem:v11+s23+$0x0], $0xffff  }
0x9a: {  	v23 =	vld.idx.msk [tilespmem:v14+s24+$0x0], $0xffff;
	(erf) = vrcp.f32 v18  }
0x9b: {  	v22 =	vmul.f32 v20, v6;
	v20 =	vmul.f32 v24, v4;
	v24 =	vld.idx.msk [tilespmem:v31+s22+$0x0], $0xffff  }
0x9c: {  	v30 =	vmul.f32 v30, v9;
	v25 =	vld.idx.msk [tilespmem:v13+s24+$0x0], $0xffff  }
0x9d: {  	s10 =	simm.s32 $0x0;
	v17 =	vmul.f32 v27, v7;
	v27 =	vld.idx.msk [tilespmem:v12+s24+$0x0], $0xffff;
	v18 =	vmul.f32 v29, v2;
	v29 =	vadd.f32 v32, v34  }
0x9e: {  	s11 =	simm.s32 $0x8;
	s12 =	simm.s32 $0x400;
	s8 =	sshll.u32 s3, $0x4;
	v21 =	vmul.f32 v21, v5;
	v30 =	vadd.f32 v33, v30;
	v19 =	vmul.f32 v28, v3;
	v28 =	vld.idx.msk [tilespmem:v11+s24+$0x0], $0xffff  }
.LBB2_3:
0x9f: {  	s14 =	sand.u32 $0x3C00, s12;
	s18 =	sand.u32 $0x380, s11;
	s10 =	sadd.s32 $0x80, s10;
	v29 =	vmul.f32 v29, v8;
	v22 =	vadd.f32 v26, v22;
	v26 =	vld.idx.msk [tilespmem:v10+s24+$0x0], $0xffff  }
0xa0: {  	v21 =	vadd.f32 v23, v21;
	s14 =	sor.u32 s18, s14;
	v31 =	vld.idx.msk [tilespmem:v0+s5+$0x0], $0xffff;
	p1 =	slt.u32 s10, $0x3F80;
	v30 =	vmul.f32 v30, v9  }
0xa1: {  	v9 =	vld [tilespmem:s14+$0x3F0];
	v32 =	vmul.f32 v22, v6;
	v22 =	vadd.f32 v25, v20  }
0xa2: {  	v25 =	vmul.f32 v21, v5;
	v23 =	vld [tilespmem:s14+$0x380];
	v24 =	vadd.f32 v30, v24  }
0xa3: {  	v17 =	vadd.f32 v27, v17;
	v21 =	vld [tilespmem:s14+$0x390];
	v30 =	vmul.f32 v22, v4;
	v20 =	vpop (erf)  }
0xa4: {  	v27 =	vadd.f32 v28, v19;
	v22 =	vld [tilespmem:s14+$0x3A0];
	v24 =	vmul.f32 v20, v24  }
0xa5: {  	v28 =	vmul.f32 v17, v7;
	v18 =	vadd.f32 v26, v18;
	v20 =	vld [tilespmem:s14+$0x3B0]  }
0xa6: {  	v27 =	vmul.f32 v27, v3;
	v19 =	vld [tilespmem:s14+$0x3C0];
	vm0 =	vle.f32 v31, v9;
	[tilespmem:s9+$0x83F0] =	vst v24  }
0xa7: {  	v33 =	vmul.f32 v18, v2;
	vm1 =	vle.f32 v31, v23;
	v17 =	vld [tilespmem:s14+$0x3D0];
	v24 =	vsel vm0, $0x20, v1  }
0xa8: {  	v26 =	vsel vm1, $0x20, v1;
	vm0 =	vle.f32 v31, v21;
	v18 =	vld [tilespmem:s14+$0x3E0];
	v34 =	vor.u32 $0x10, v24  }
0xa9: {  	v35 =	vor.u32 $0x10, v26;
	v36 =	vsel vm0, $0x20, v1;
	vm0 =	vle.f32 v31, v22;
	v37 =	vld.idx.msk [tilespmem:v15+s25+$0x0], $0xffff  }
0xaa: {  	v38 =	vor.u32 $0x10, v36;
	v39 =	vsel vm0, $0x20, v1;
	vm0 =	vle.f32 v31, v20;
	v40 =	vld.idx.msk [tilespmem:v16+s25+$0x0], $0xffff  }
0xab: {  	v41 =	vor.u32 $0x10, v39;
	v42 =	vsel vm0, $0x20, v1;
	vm0 =	vle.f32 v31, v19;
	v43 =	vld.idx.msk [tilespmem:v14+s25+$0x0], $0xffff  }
0xac: {  	v44 =	vor.u32 $0x10, v42;
	v45 =	vsel vm0, $0x20, v1;
	vm0 =	vle.f32 v31, v17;
	v46 =	vld.idx.msk [tilespmem:v13+s25+$0x0], $0xffff  }
0xad: {  	v47 =	vor.u32 $0x10, v45;
	v48 =	vsel vm0, $0x20, v1;
	vm0 =	vle.f32 v31, v18;
	v31 =	vld.idx.msk [tilespmem:v34+s5+$0x0], $0xffff  }
0xae: {  	v49 =	vld.idx.msk [tilespmem:v35+s5+$0x0], $0xffff;
	v50 =	vor.u32 $0x10, v48;
	v51 =	vsel vm0, $0x20, v1  }
0xaf: {  	v29 =	vadd.f32 v29, v37;
	v52 =	vld.idx.msk [tilespmem:v38+s5+$0x0], $0xffff;
	v53 =	vor.u32 $0x10, v51  }
0xb0: {  	v32 =	vadd.f32 v32, v40;
	v37 =	vld.idx.msk [tilespmem:v41+s5+$0x0], $0xffff  }
0xb1: {  	v25 =	vadd.f32 v25, v43;
	v40 =	vld.idx.msk [tilespmem:v44+s5+$0x0], $0xffff;
	(erf) = vrcp.f32 v29  }
0xb2: {  	v30 =	vadd.f32 v30, v46;
	v29 =	vld.idx.msk [tilespmem:v47+s5+$0x0], $0xffff;
	(erf) = vrcp.f32 v32  }
0xb3: {  	vm0 =	vle.f32 v31, v9;
	v32 =	vld.idx.msk [tilespmem:v50+s5+$0x0], $0xffff;
	(erf) = vrcp.f32 v25  }
0xb4: {  	vm1 =	vle.f32 v49, v23;
	v31 =	vsel vm0, v34, v24;
	v25 =	vld.idx.msk [tilespmem:v53+s5+$0x0], $0xffff;
	(erf) = vrcp.f32 v30  }
0xb5: {  	v30 =	vsel vm1, v35, v26;
	vm0 =	vle.f32 v52, v21;
	v34 =	vor.u32 $0x8, v31;
	v24 =	vld.idx.msk [tilespmem:v12+s25+$0x0], $0xffff  }
0xb6: {  	v35 =	vor.u32 $0x8, v30;
	v36 =	vsel vm0, v38, v36;
	vm0 =	vle.f32 v37, v22;
	v37 =	vld.idx.msk [tilespmem:v11+s25+$0x0], $0xffff  }
0xb7: {  	v38 =	vor.u32 $0x8, v36;
	v39 =	vsel vm0, v41, v39;
	vm0 =	vle.f32 v40, v20;
	v40 =	vld.idx.msk [tilespmem:v10+s25+$0x0], $0xffff  }
0xb8: {  	v41 =	vor.u32 $0x8, v39;
	v42 =	vsel vm0, v44, v42;
	vm0 =	vle.f32 v29, v19;
	v29 =	vld.idx.msk [tilespmem:v15+s20+$0x0], $0xffff  }
0xb9: {  	v43 =	vor.u32 $0x8, v42;
	v44 =	vsel vm0, v47, v45;
	vm0 =	vle.f32 v32, v17;
	v32 =	vld.idx.msk [tilespmem:v16+s20+$0x0], $0xffff  }
0xba: {  	v45 =	vor.u32 $0x8, v44;
	v46 =	vsel vm0, v50, v48;
	vm0 =	vle.f32 v25, v18;
	v47 =	vld.idx.msk [tilespmem:v34+s5+$0x0], $0xffff;
	v25 =	vpop (erf)  }
0xbb: {  	v49 =	vor.u32 $0x8, v46;
	v50 =	vsel vm0, v53, v51;
	v28 =	vadd.f32 v28, v24;
	v48 =	vld.idx.msk [tilespmem:v35+s5+$0x0], $0xffff;
	v26 =	vpop (erf)  }
0xbc: {  	v52 =	vor.u32 $0x8, v50;
	v37 =	vadd.f32 v27, v37;
	v51 =	vld.idx.msk [tilespmem:v38+s5+$0x0], $0xffff;
	v27 =	vpop (erf)  }
0xbd: {  	v33 =	vadd.f32 v33, v40;
	v53 =	vld.idx.msk [tilespmem:v41+s5+$0x0], $0xffff;
	v24 =	vpop (erf);
	(erf) = vrcp.f32 v28  }
0xbe: {  	v40 =	vmul.f32 v29, v8;
	v28 =	vld.idx.msk [tilespmem:v43+s5+$0x0], $0xffff;
	(erf) = vrcp.f32 v37  }
0xbf: {  	v32 =	vmul.f32 v32, v6;
	v29 =	vld.idx.msk [tilespmem:v45+s5+$0x0], $0xffff;
	(erf) = vrcp.f32 v33  }
0xc0: {  	vm0 =	vle.f32 v47, v9;
	v33 =	vld.idx.msk [tilespmem:v49+s5+$0x0], $0xffff  }
0xc1: {  	vm1 =	vle.f32 v48, v23;
	v31 =	vsel vm0, v34, v31;
	v37 =	vld.idx.msk [tilespmem:v52+s5+$0x0], $0xffff  }
0xc2: {  	v34 =	vsel vm1, v35, v30;
	vm0 =	vle.f32 v51, v21;
	v35 =	vor.u32 $0x4, v31;
	v30 =	vld.idx.msk [tilespmem:v14+s20+$0x0], $0xffff  }
0xc3: {  	v47 =	vor.u32 $0x4, v34;
	v36 =	vsel vm0, v38, v36;
	vm0 =	vle.f32 v53, v22;
	v38 =	vld.idx.msk [tilespmem:v13+s20+$0x0], $0xffff  }
0xc4: {  	v48 =	vor.u32 $0x4, v36;
	v39 =	vsel vm0, v41, v39;
	vm0 =	vle.f32 v28, v20;
	v41 =	vld.idx.msk [tilespmem:v12+s20+$0x0], $0xffff  }
0xc5: {  	v51 =	vor.u32 $0x4, v39;
	v42 =	vsel vm0, v43, v42;
	vm0 =	vle.f32 v29, v19;
	v43 =	vld.idx.msk [tilespmem:v11+s20+$0x0], $0xffff  }
0xc6: {  	v53 =	vor.u32 $0x4, v42;
	v44 =	vsel vm0, v45, v44;
	vm0 =	vle.f32 v33, v17;
	v33 =	vld.idx.msk [tilespmem:v10+s20+$0x0], $0xffff;
	v28 =	vpop (erf)  }
0xc7: {  	v45 =	vor.u32 $0x4, v44;
	v46 =	vsel vm0, v49, v46;
	vm0 =	vle.f32 v37, v18;
	v37 =	vld.idx.msk [tilespmem:v35+s5+$0x0], $0xffff;
	v29 =	vpop (erf)  }
0xc8: {  	v54 =	vor.u32 $0x4, v46;
	v50 =	vsel vm0, v52, v50;
	v52 =	vmul.f32 v30, v5;
	v49 =	vld.idx.msk [tilespmem:v47+s5+$0x0], $0xffff;
	v30 =	vpop (erf)  }
0xc9: {  	v56 =	vor.u32 $0x4, v50;
	v38 =	vmul.f32 v38, v4;
	v55 =	vld.idx.msk [tilespmem:v48+s5+$0x0], $0xffff  }
0xca: {  	v41 =	vmul.f32 v41, v7;
	v57 =	vld.idx.msk [tilespmem:v51+s5+$0x0], $0xffff  }
0xcb: {  	v43 =	vmul.f32 v43, v3;
	v58 =	vld.idx.msk [tilespmem:v53+s5+$0x0], $0xffff  }
0xcc: {  	v33 =	vmul.f32 v33, v2;
	v59 =	vld.idx.msk [tilespmem:v45+s5+$0x0], $0xffff  }
0xcd: {  	vm0 =	vle.f32 v37, v9;
	v60 =	vld.idx.msk [tilespmem:v54+s5+$0x0], $0xffff  }
0xce: {  	vm1 =	vle.f32 v49, v23;
	v31 =	vsel vm0, v35, v31;
	v37 =	vld.idx.msk [tilespmem:v56+s5+$0x0], $0xffff  }
0xcf: {  	v34 =	vsel vm1, v47, v34;
	vm0 =	vle.f32 v55, v21;
	v35 =	vadd.s32 $0x2, v31;
	v47 =	vld.idx.msk [tilespmem:v15+s21+$0x0], $0xffff  }
0xd0: {  	v49 =	vadd.s32 $0x2, v34;
	v36 =	vsel vm0, v48, v36;
	vm0 =	vle.f32 v57, v22;
	v48 =	vld.idx.msk [tilespmem:v16+s21+$0x0], $0xffff  }
0xd1: {  	v55 =	vadd.s32 $0x2, v36;
	v39 =	vsel vm0, v51, v39;
	vm0 =	vle.f32 v58, v20;
	v51 =	vld.idx.msk [tilespmem:v14+s21+$0x0], $0xffff  }
0xd2: {  	v57 =	vadd.s32 $0x2, v39;
	v42 =	vsel vm0, v53, v42;
	vm0 =	vle.f32 v59, v19;
	v53 =	vld.idx.msk [tilespmem:v13+s21+$0x0], $0xffff  }
0xd3: {  	v58 =	vadd.s32 $0x2, v42;
	v44 =	vsel vm0, v45, v44;
	vm0 =	vle.f32 v60, v17;
	v45 =	vld.idx.msk [tilespmem:v12+s21+$0x0], $0xffff  }
0xd4: {  	v59 =	vadd.s32 $0x2, v44;
	v46 =	vsel vm0, v54, v46;
	vm0 =	vle.f32 v37, v18;
	v37 =	vld.idx.msk [tilespmem:v35+s5+$0x0], $0xffff  }
0xd5: {  	v60 =	vadd.s32 $0x2, v46;
	v50 =	vsel vm0, v56, v50;
	v40 =	vadd.f32 v47, v40;
	v54 =	vld.idx.msk [tilespmem:v49+s5+$0x0], $0xffff  }
0xd6: {  	v56 =	vadd.s32 $0x2, v50;
	v32 =	vadd.f32 v48, v32;
	v47 =	vld.idx.msk [tilespmem:v55+s5+$0x0], $0xffff  }
0xd7: {  	v40 =	vmul.f32 v40, v8;
	v51 =	vadd.f32 v51, v52;
	v8 =	vmov v23;
	v48 =	vld.idx.msk [tilespmem:v57+s5+$0x0], $0xffff  }
0xd8: {  	v32 =	vmul.f32 v32, v6;
	v38 =	vadd.f32 v53, v38;
	v6 =	vmov v21;
	v23 =	vld.idx.msk [tilespmem:v58+s5+$0x0], $0xffff  }
0xd9: {  	v51 =	vmul.f32 v51, v5;
	v41 =	vadd.f32 v45, v41;
	v5 =	vmov v22;
	v21 =	vld.idx.msk [tilespmem:v59+s5+$0x0], $0xffff  }
0xda: {  	vm0 =	vle.f32 v37, v9;
	v37 =	vmul.f32 v38, v4;
	v4 =	vmov v20;
	v22 =	vld.idx.msk [tilespmem:v60+s5+$0x0], $0xffff  }
0xdb: {  	vm1 =	vle.f32 v54, v8;
	v31 =	vsel vm0, v35, v31;
	v35 =	vmul.f32 v41, v7;
	v20 =	vld.idx.msk [tilespmem:v56+s5+$0x0], $0xffff  }
0xdc: {  	v7 =	vmovc v19;
	v34 =	vsel vm1, v49, v34;
	vm0 =	vle.f32 v47, v6;
	v38 =	vadd.s32 $0x1, v31;
	v41 =	vld.idx.msk [tilespmem:v11+s21+$0x0], $0xffff  }
0xdd: {  	v19 =	vadd.s32 $0x1, v34;
	v36 =	vsel vm0, v55, v36;
	vm0 =	vle.f32 v48, v5;
	v45 =	vld.idx.msk [tilespmem:v10+s21+$0x0], $0xffff  }
0xde: {  	v47 =	vadd.s32 $0x1, v36;
	v39 =	vsel vm0, v57, v39;
	vm0 =	vle.f32 v23, v4;
	v15 =	vld.idx.msk [tilespmem:v15+s22+$0x0], $0xffff  }
0xdf: {  	v23 =	vadd.s32 $0x1, v39;
	v42 =	vsel vm0, v58, v42;
	vm0 =	vle.f32 v21, v7;
	v16 =	vld.idx.msk [tilespmem:v16+s22+$0x0], $0xffff  }
0xe0: {  	v21 =	vadd.s32 $0x1, v42;
	v44 =	vsel vm0, v59, v44;
	vm0 =	vle.f32 v22, v17;
	v14 =	vld.idx.msk [tilespmem:v14+s22+$0x0], $0xffff  }
0xe1: {  	v22 =	vadd.s32 $0x1, v44;
	v46 =	vsel vm0, v60, v46;
	vm0 =	vle.f32 v20, v18;
	v20 =	vld.idx.msk [tilespmem:v38+s5+$0x0], $0xffff  }
0xe2: {  	v49 =	vadd.s32 $0x1, v46;
	v50 =	vsel vm0, v56, v50;
	v41 =	vadd.f32 v41, v43;
	v48 =	vld.idx.msk [tilespmem:v19+s5+$0x0], $0xffff  }
0xe3: {  	v52 =	vadd.s32 $0x1, v50;
	v33 =	vadd.f32 v45, v33;
	v43 =	vld.idx.msk [tilespmem:v47+s5+$0x0], $0xffff  }
0xe4: {  	v15 =	vadd.f32 v40, v15;
	v40 =	vmul.f32 v41, v3;
	v3 =	vmov v17;
	v45 =	vld.idx.msk [tilespmem:v23+s5+$0x0], $0xffff  }
0xe5: {  	v16 =	vadd.f32 v32, v16;
	v32 =	vmul.f32 v33, v2;
	v2 =	vmov v18;
	v17 =	vld.idx.msk [tilespmem:v21+s5+$0x0], $0xffff  }
0xe6: {  	v25 =	vmul.f32 v25, v15;
	v14 =	vadd.f32 v51, v14;
	v18 =	vld.idx.msk [tilespmem:v22+s5+$0x0], $0xffff  }
0xe7: {  	vm0 =	vle.f32 v20, v9;
	v20 =	vmul.f32 v26, v16;
	v33 =	vld.idx.msk [tilespmem:v49+s5+$0x0], $0xffff  }
0xe8: {  	vm1 =	vle.f32 v48, v8;
	v31 =	vsel vm0, v38, v31;
	v27 =	vmul.f32 v27, v14;
	v26 =	vld.idx.msk [tilespmem:v52+s5+$0x0], $0xffff  }
0xe9: {  	v15 =	vsel vm1, v19, v34;
	vm0 =	vle.f32 v43, v6;
	[tilespmem:s9+$0x8380] =	vst v25;
	v19 =	vld.idx.msk [tilespmem:v13+s22+$0x0], $0xffff  }
0xea: {  	v16 =	vsel vm0, v47, v36;
	vm0 =	vle.f32 v45, v5;
	[tilespmem:s9+$0x8390] =	vst v20;
	v20 =	vld.idx.msk [tilespmem:v12+s22+$0x0], $0xffff  }
0xeb: {  	v14 =	vsel vm0, v23, v39;
	vm0 =	vle.f32 v17, v4;
	[tilespmem:s9+$0x83A0] =	vst v27;
	v17 =	vld.idx.msk [tilespmem:v11+s22+$0x0], $0xffff  }
0xec: {  	v13 =	vsel vm0, v21, v42;
	vm0 =	vle.f32 v18, v7;
	v18 =	vld.idx.msk [tilespmem:v10+s22+$0x0], $0xffff  }
0xed: {  	v12 =	vsel vm0, v22, v44;
	vm0 =	vle.f32 v33, v3;
	v21 =	vld.idx.msk [tilespmem:v31+s23+$0x0], $0xffff  }
0xee: {  	v11 =	vsel vm0, v49, v46;
	vm0 =	vle.f32 v26, v2;
	v22 =	vld.idx.msk [tilespmem:v15+s23+$0x0], $0xffff  }
0xef: {  	v10 =	vsel vm0, v52, v50;
	v19 =	vadd.f32 v37, v19;
	v23 =	vld.idx.msk [tilespmem:v31+s24+$0x0], $0xffff  }
0xf0: {  	v20 =	vadd.f32 v35, v20;
	v25 =	vld.idx.msk [tilespmem:v16+s23+$0x0], $0xffff  }
0xf1: {  	v19 =	vmul.f32 v24, v19;
	v17 =	vadd.f32 v40, v17;
	v26 =	vld.idx.msk [tilespmem:v14+s23+$0x0], $0xffff  }
0xf2: {  	v20 =	vmul.f32 v28, v20;
	v18 =	vadd.f32 v32, v18;
	v24 =	vld.idx.msk [tilespmem:v13+s23+$0x0], $0xffff  }
0xf3: {  	v21 =	vmul.f32 v21, v9;
	v17 =	vmul.f32 v29, v17;
	v27 =	vld.idx.msk [tilespmem:v31+s25+$0x0], $0xffff;
	[tilespmem:s9+$0x83B0] =	vst v19  }
0xf4: {  	v28 =	vmul.f32 v22, v8;
	v18 =	vmul.f32 v30, v18;
	v19 =	vld.idx.msk [tilespmem:v12+s23+$0x0], $0xffff;
	[tilespmem:s9+$0x83C0] =	vst v20  }
0xf5: {  	v20 =	vadd.f32 v23, v21;
	v29 =	vld.idx.msk [tilespmem:v11+s23+$0x0], $0xffff;
	[tilespmem:s9+$0x83D0] =	vst v17  }
0xf6: {  	v22 =	vmul.f32 v25, v6;
	v30 =	vld.idx.msk [tilespmem:v10+s23+$0x0], $0xffff;
	[tilespmem:s9+$0x83E0] =	vst v18;
	s9 =	smov.u32 s14  }
0xf7: {  	v21 =	vmul.f32 v26, v5;
	v17 =	vmul.f32 v20, v9;
	v32 =	vld.idx.msk [tilespmem:v31+s20+$0x0], $0xffff  }
0xf8: {  	v20 =	vmul.f32 v24, v4;
	v33 =	vld.idx.msk [tilespmem:v15+s24+$0x0], $0xffff  }
0xf9: {  	v18 =	vadd.f32 v17, v27;
	v34 =	vld.idx.msk [tilespmem:v31+s21+$0x0], $0xffff  }
0xfa: {  	v17 =	vmul.f32 v19, v7;
	v26 =	vld.idx.msk [tilespmem:v16+s24+$0x0], $0xffff  }
.Ltmp2:
0xfb: {  	v19 =	vmul.f32 v29, v3;
	v23 =	vld.idx.msk [tilespmem:v14+s24+$0x0], $0xffff;
	(erf) = vrcp.f32 v18;
	(pc) =	sbr.rel @p1 .LBB2_3-.Ltmp2, $4  }
0xfc: {  	v18 =	vmul.f32 v30, v2;
	v25 =	vld.idx.msk [tilespmem:v13+s24+$0x0], $0xffff  }
0xfd: {  	v30 =	vmul.f32 v32, v9;
	v24 =	vld.idx.msk [tilespmem:v31+s22+$0x0], $0xffff  }
0xfe: {  	v29 =	vadd.f32 v33, v28;
	v27 =	vld.idx.msk [tilespmem:v12+s24+$0x0], $0xffff  }
0xff: {  	s11 =	sadd.s32 $0x8, s11;
	s12 =	sadd.s32 $0x400, s12;
	v30 =	vadd.f32 v34, v30;
	v28 =	vld.idx.msk [tilespmem:v11+s24+$0x0], $0xffff  }
0x100: {  	_ =	sdelay $0x3  }
0x101: {  	v31 =	vld.idx.msk [tilespmem:v10+s24+$0x0], $0xffff  }
0x102: {  	v32 =	vld.idx.msk [tilespmem:v15+s25+$0x0], $0xffff  }
0x103: {  	v33 =	vld.idx.msk [tilespmem:v16+s25+$0x0], $0xffff  }
0x104: {  	v34 =	vld.idx.msk [tilespmem:v14+s25+$0x0], $0xffff  }
0x105: {  	v35 =	vld.idx.msk [tilespmem:v13+s25+$0x0], $0xffff  }
0x106: {  	v36 =	vld.idx.msk [tilespmem:v12+s25+$0x0], $0xffff  }
0x107: {  	v37 =	vld.idx.msk [tilespmem:v11+s25+$0x0], $0xffff  }
0x108: {  	v38 =	vld.idx.msk [tilespmem:v10+s25+$0x0], $0xffff  }
0x109: {  	v39 =	vld.idx.msk [tilespmem:v15+s20+$0x0], $0xffff  }
0x10a: {  	v40 =	vld.idx.msk [tilespmem:v16+s20+$0x0], $0xffff  }
0x10b: {  	v41 =	vld.idx.msk [tilespmem:v14+s20+$0x0], $0xffff  }
0x10c: {  	v22 =	vadd.f32 v26, v22;
	v26 =	vld.idx.msk [tilespmem:v13+s20+$0x0], $0xffff;
	v9 =	vmul.f32 v30, v9  }
0x10d: {  	v20 =	vadd.f32 v25, v20;
	v25 =	vld.idx.msk [tilespmem:v12+s20+$0x0], $0xffff  }
0x10e: {  	v21 =	vadd.f32 v23, v21;
	v23 =	vmul.f32 v29, v8;
	v9 =	vadd.f32 v9, v24;
	v24 =	vld.idx.msk [tilespmem:v11+s20+$0x0], $0xffff  }
0x10f: {  	v17 =	vadd.f32 v27, v17;
	v27 =	vld.idx.msk [tilespmem:v10+s20+$0x0], $0xffff  }
0x110: {  	v22 =	vmul.f32 v22, v6;
	v19 =	vadd.f32 v28, v19;
	v28 =	vld.idx.msk [tilespmem:v15+s21+$0x0], $0xffff;
	v23 =	vadd.f32 v23, v32  }
0x111: {  	v21 =	vmul.f32 v21, v5;
	v20 =	vmul.f32 v20, v4;
	v15 =	vld.idx.msk [tilespmem:v15+s22+$0x0], $0xffff;
	v18 =	vadd.f32 v31, v18  }
0x112: {  	v29 =	vpop (erf);
	v22 =	vadd.f32 v22, v33;
	v17 =	vmul.f32 v17, v7;
	(erf) = vrcp.f32 v23;
	v23 =	vld.idx.msk [tilespmem:v16+s21+$0x0], $0xffff  }
0x113: {  	v21 =	vadd.f32 v21, v34;
	v9 =	vmul.f32 v29, v9;
	v29 =	vmul.f32 v39, v8;
	v16 =	vld.idx.msk [tilespmem:v16+s22+$0x0], $0xffff  }
0x114: {  	v20 =	vadd.f32 v20, v35;
	v19 =	vmul.f32 v19, v3;
	(erf) = vrcp.f32 v22;
	v22 =	vld.idx.msk [tilespmem:v14+s21+$0x0], $0xffff  }
0x115: {  	v18 =	vmul.f32 v18, v2;
	v17 =	vadd.f32 v17, v36;
	v14 =	vld.idx.msk [tilespmem:v14+s22+$0x0], $0xffff;
	(erf) = vrcp.f32 v21  }
0x116: {  	v30 =	vmul.f32 v40, v6;
	v19 =	vadd.f32 v19, v37;
	v21 =	vld.idx.msk [tilespmem:v13+s21+$0x0], $0xffff;
	(erf) = vrcp.f32 v20  }
0x117: {  	v26 =	vmul.f32 v26, v4;
	v18 =	vadd.f32 v18, v38;
	v20 =	vld.idx.msk [tilespmem:v12+s21+$0x0], $0xffff;
	(erf) = vrcp.f32 v17  }
0x118: {  	v25 =	vmul.f32 v25, v7;
	v28 =	vadd.f32 v28, v29;
	v13 =	vld.idx.msk [tilespmem:v13+s22+$0x0], $0xffff;
	(erf) = vrcp.f32 v19  }
0x119: {  	v17 =	vld.idx.msk [tilespmem:v11+s21+$0x0], $0xffff;
	v23 =	vadd.f32 v23, v30;
	(erf) = vrcp.f32 v18;
	v18 =	vmul.f32 v41, v5  }
0x11a: {  	v24 =	vmul.f32 v24, v3;
	v8 =	vmul.f32 v28, v8;
	v19 =	vld.idx.msk [tilespmem:v10+s21+$0x0], $0xffff  }
0x11b: {  	v12 =	vld.idx.msk [tilespmem:v12+s22+$0x0], $0xffff;
	v21 =	vadd.f32 v21, v26;
	v6 =	vmul.f32 v23, v6;
	v18 =	vadd.f32 v22, v18  }
0x11c: {  	v8 =	vadd.f32 v8, v15;
	v22 =	vmul.f32 v27, v2;
	v20 =	vadd.f32 v20, v25  }
0x11d: {  	v11 =	vld.idx.msk [tilespmem:v11+s22+$0x0], $0xffff;
	v4 =	vmul.f32 v21, v4;
	v15 =	vpop (erf);
	v6 =	vadd.f32 v6, v16;
	v5 =	vmul.f32 v18, v5  }
0x11e: {  	v10 =	vld.idx.msk [tilespmem:v10+s22+$0x0], $0xffff;
	v17 =	vadd.f32 v17, v24;
	v7 =	vmul.f32 v20, v7;
	v16 =	vpop (erf);
	v8 =	vmul.f32 v15, v8  }
0x11f: {  	v18 =	vadd.f32 v19, v22;
	v6 =	vmul.f32 v16, v6;
	v5 =	vadd.f32 v5, v14  }
0x120: {  	[tilespmem:s9+$0x83F0] =	vst v9;
	v3 =	vmul.f32 v17, v3;
	v4 =	vadd.f32 v4, v13;
	v14 =	vpop (erf);
	v7 =	vadd.f32 v7, v12  }
0x121: {  	v2 =	vmul.f32 v18, v2;
	[tilespmem:s9+$0x8380] =	vst v8;
	v9 =	vpop (erf);
	v5 =	vmul.f32 v14, v5  }
0x122: {  	[tilespmem:s9+$0x8390] =	vst v6;
	v3 =	vadd.f32 v3, v11;
	v8 =	vpop (erf);
	v4 =	vmul.f32 v9, v4  }
0x123: {  	v2 =	vadd.f32 v2, v10;
	v6 =	vpop (erf);
	[tilespmem:s9+$0x83A0] =	vst v5;
	v5 =	vmul.f32 v8, v7  }
0x124: {  	v7 =	vpop (erf);
	[tilespmem:s9+$0x83B0] =	vst v4;
	v3 =	vmul.f32 v6, v3  }
0x125: {  	v2 =	vmul.f32 v7, v2;
	[tilespmem:s9+$0x83C0] =	vst v5  }
0x126: {  	s10 =	sshll.u32 s3, $0xC;
	p1 =	seq.s32 s3, $0x1F;
	[tilespmem:s9+$0x83D0] =	vst v3  }
0x127: {  	s12 =	sadd.s32 s10, s15;
	[tilespmem:s9+$0x83E0] =	vst v2;
	s9 =	sadd.s32 @!p1 s8, s16  }
0x128: {  	[hbm4b:s12+s5] =	stream.linear.scatter [tilespmem:s30], [sflag:$0x3], $0x4000, $0x38;
	[tilespmem:$0x10380] =	vst v63  }
0x129: {  	s9 =	sshll.u32 @!p1 s9, $0x8  }
0x12a: {  	s10 =	simm.s32 @!p1 $0x0;
	s11 =	simm.s32 @!p1 $0x380;
	s9 =	sadd.s32 @!p1 s1, s9  }
0x12b: {  	[tilespmem:s11], [sflag:$0x1] =	stream.linear.gather @!p1 [hbm4b:s9+s10], $0x4000, $0x38;
	[tilespmem:$0x10380] =	vst v63  }
0x12c: {  	_ =	swait.ge [sflag:s31], $0x4000  }
0x12d: {  	[sflag:s31] =	ssyncset.done $0x0  }
0x12e: {  	s9 =	simm.s32 @!p0 $0x4;
	[sflag:s31] =	ssyncadd.s32 $0xFFFFC000  }
0x12f: {  	_ =	swait.ge @!p0 [sflag:s9], $0x4000  }
0x130: {  	s13 =	simm.s32 $0x0;
	[sflag:s9] =	ssyncset.done @!p0 $0x0  }
0x131: {  	s14 =	sand.u32 $0x3C00, s13;
	s10 =	sand.u32 $0x380, s13;
	[sflag:s9] =	ssyncadd.s32 @!p0 $0xFFFFC000  }
0x132: {  	s9 =	sor.u32 s10, s14;
	v10 =	vld.idx.msk [tilespmem:v0+s5+$0x0], $0xffff  }
0x133: {  	v9 =	vld [tilespmem:s9+$0x43F0]  }
0x134: {  	v8 =	vld [tilespmem:s9+$0x4380];
	_ =	sdelay $0x1  }
0x135: {  	v6 =	vld [tilespmem:s9+$0x4390]  }
0x136: {  	v5 =	vld [tilespmem:s9+$0x43A0]  }
0x137: {  	v4 =	vld [tilespmem:s9+$0x43B0];
	vm0 =	vle.f32 v10, v9  }
0x138: {  	v3 =	vld [tilespmem:s9+$0x43D0];
	vm1 =	vle.f32 v10, v8;
	v11 =	vsel vm0, $0x20, v1  }
0x139: {  	v7 =	vld [tilespmem:s9+$0x43C0];
	v12 =	vsel vm1, $0x20, v1;
	v13 =	vor.u32 $0x10, v11  }
0x13a: {  	v2 =	vld [tilespmem:s9+$0x43E0];
	vm6 =	vle.f32 v10, v6;
	v14 =	vor.u32 $0x10, v12  }
0x13b: {  	vm7 =	vle.f32 v10, v5;
	v15 =	vsel vm6, $0x20, v1  }
0x13c: {  	vm8 =	vle.f32 v10, v4;
	v17 =	vsel vm7, $0x20, v1;
	v16 =	vor.u32 $0x10, v15  }
0x13d: {  	vm10 =	vle.f32 v10, v3;
	v19 =	vsel vm8, $0x20, v1;
	v18 =	vor.u32 $0x10, v17  }
0x13e: {  	vm9 =	vle.f32 v10, v7;
	v25 =	vsel vm10, $0x20, v1;
	v20 =	vor.u32 $0x10, v19;
	v21 =	vld.idx.msk [tilespmem:v13+s5+$0x0], $0xffff  }
0x13f: {  	vm11 =	vle.f32 v10, v2;
	v22 =	vsel vm9, $0x20, v1;
	v10 =	vor.u32 $0x10, v25;
	v23 =	vld.idx.msk [tilespmem:v14+s5+$0x0], $0xffff  }
0x140: {  	v24 =	vor.u32 $0x10, v22  }
0x141: {  	v26 =	vsel vm11, $0x20, v1;
	v27 =	vld.idx.msk [tilespmem:v16+s5+$0x0], $0xffff  }
0x142: {  	v28 =	vor.u32 $0x10, v26;
	v29 =	vld.idx.msk [tilespmem:v18+s5+$0x0], $0xffff  }
0x143: {  	v30 =	vld.idx.msk [tilespmem:v20+s5+$0x0], $0xffff;
	vm12 =	vle.f32 v21, v9  }
0x144: {  	vm13 =	vle.f32 v23, v8;
	v21 =	vld.idx.msk [tilespmem:v10+s5+$0x0], $0xffff;
	v11 =	vsel vm12, v13, v11  }
0x145: {  	v13 =	vld.idx.msk [tilespmem:v24+s5+$0x0], $0xffff;
	v12 =	vsel vm13, v14, v12;
	v14 =	vor.u32 $0x8, v11  }
0x146: {  	vm14 =	vle.f32 v27, v6;
	v23 =	vor.u32 $0x8, v12  }
0x147: {  	v27 =	vld.idx.msk [tilespmem:v28+s5+$0x0], $0xffff;
	vm15 =	vle.f32 v29, v5;
	v15 =	vsel vm14, v16, v15  }
0x148: {  	vm4 =	vle.f32 v30, v4;
	v17 =	vsel vm15, v18, v17;
	v16 =	vor.u32 $0x8, v15  }
0x149: {  	v19 =	vsel vm4, v20, v19;
	v18 =	vor.u32 $0x8, v17;
	vm6 =	vle.f32 v21, v3  }
0x14a: {  	vm5 =	vle.f32 v13, v7;
	v13 =	vor.u32 $0x8, v19;
	v10 =	vsel vm6, v10, v25;
	v20 =	vld.idx.msk [tilespmem:v14+s5+$0x0], $0xffff  }
0x14b: {  	v22 =	vsel vm5, v24, v22;
	v21 =	vld.idx.msk [tilespmem:v23+s5+$0x0], $0xffff;
	v25 =	vor.u32 $0x8, v10  }
0x14c: {  	vm7 =	vle.f32 v27, v2;
	v24 =	vor.u32 $0x8, v22  }
0x14d: {  	v26 =	vsel vm7, v28, v26;
	v27 =	vld.idx.msk [tilespmem:v16+s5+$0x0], $0xffff  }
0x14e: {  	v28 =	vor.u32 $0x8, v26;
	v29 =	vld.idx.msk [tilespmem:v18+s5+$0x0], $0xffff  }
0x14f: {  	v30 =	vld.idx.msk [tilespmem:v13+s5+$0x0], $0xffff;
	vm8 =	vle.f32 v20, v9  }
0x150: {  	vm9 =	vle.f32 v21, v8;
	v21 =	vld.idx.msk [tilespmem:v25+s5+$0x0], $0xffff;
	v11 =	vsel vm8, v14, v11  }
0x151: {  	v14 =	vld.idx.msk [tilespmem:v24+s5+$0x0], $0xffff;
	v12 =	vsel vm9, v23, v12;
	v20 =	vor.u32 $0x4, v11  }
0x152: {  	vm10 =	vle.f32 v27, v6;
	v23 =	vor.u32 $0x4, v12  }
0x153: {  	v27 =	vld.idx.msk [tilespmem:v28+s5+$0x0], $0xffff;
	vm11 =	vle.f32 v29, v5;
	v15 =	vsel vm10, v16, v15  }
0x154: {  	v17 =	vsel vm11, v18, v17;
	v16 =	vor.u32 $0x4, v15;
	vm12 =	vle.f32 v30, v4  }
0x155: {  	v18 =	vor.u32 $0x4, v17;
	v13 =	vsel vm12, v13, v19;
	vm14 =	vle.f32 v21, v3  }
0x156: {  	vm13 =	vle.f32 v14, v7;
	v14 =	vor.u32 $0x4, v13;
	v10 =	vsel vm14, v25, v10;
	v19 =	vld.idx.msk [tilespmem:v20+s5+$0x0], $0xffff  }
0x157: {  	v22 =	vsel vm13, v24, v22;
	v21 =	vld.idx.msk [tilespmem:v23+s5+$0x0], $0xffff;
	v25 =	vor.u32 $0x4, v10  }
0x158: {  	vm15 =	vle.f32 v27, v2;
	v24 =	vor.u32 $0x4, v22  }
0x159: {  	v26 =	vsel vm15, v28, v26;
	v27 =	vld.idx.msk [tilespmem:v16+s5+$0x0], $0xffff  }
0x15a: {  	v28 =	vor.u32 $0x4, v26;
	v29 =	vld.idx.msk [tilespmem:v18+s5+$0x0], $0xffff  }
0x15b: {  	v30 =	vld.idx.msk [tilespmem:v14+s5+$0x0], $0xffff;
	vm4 =	vle.f32 v19, v9  }
0x15c: {  	vm5 =	vle.f32 v21, v8;
	v21 =	vld.idx.msk [tilespmem:v25+s5+$0x0], $0xffff;
	v11 =	vsel vm4, v20, v11  }
0x15d: {  	v19 =	vld.idx.msk [tilespmem:v24+s5+$0x0], $0xffff;
	v12 =	vsel vm5, v23, v12;
	v20 =	vadd.s32 $0x2, v11  }
0x15e: {  	vm6 =	vle.f32 v27, v6;
	v23 =	vadd.s32 $0x2, v12  }
0x15f: {  	v27 =	vld.idx.msk [tilespmem:v28+s5+$0x0], $0xffff;
	vm7 =	vle.f32 v29, v5;
	v15 =	vsel vm6, v16, v15  }
0x160: {  	v17 =	vsel vm7, v18, v17;
	v16 =	vadd.s32 $0x2, v15  }
0x161: {  	v18 =	vadd.s32 $0x2, v17;
	vm8 =	vle.f32 v30, v4  }
0x162: {  	v13 =	vsel vm8, v14, v13;
	vm10 =	vle.f32 v21, v3;
	vm9 =	vle.f32 v19, v7;
	v19 =	vld.idx.msk [tilespmem:v20+s5+$0x0], $0xffff  }
0x163: {  	v14 =	vadd.s32 $0x2, v13;
	v10 =	vsel vm10, v25, v10;
	v21 =	vld.idx.msk [tilespmem:v23+s5+$0x0], $0xffff  }
0x164: {  	vm11 =	vle.f32 v27, v2;
	v22 =	vsel vm9, v24, v22;
	v25 =	vadd.s32 $0x2, v10  }
0x165: {  	v26 =	vsel vm11, v28, v26;
	v27 =	vld.idx.msk [tilespmem:v16+s5+$0x0], $0xffff;
	v24 =	vadd.s32 $0x2, v22  }
0x166: {  	v28 =	vadd.s32 $0x2, v26  }
0x167: {  	v29 =	vld.idx.msk [tilespmem:v18+s5+$0x0], $0xffff;
	vm12 =	vle.f32 v19, v9  }
0x168: {  	v30 =	vld.idx.msk [tilespmem:v14+s5+$0x0], $0xffff;
	vm13 =	vle.f32 v21, v8;
	v11 =	vsel vm12, v20, v11  }
0x169: {  	v21 =	vld.idx.msk [tilespmem:v25+s5+$0x0], $0xffff;
	v12 =	vsel vm13, v23, v12;
	v20 =	vadd.s32 $0x1, v11  }
0x16a: {  	vm14 =	vle.f32 v27, v6;
	v19 =	vld.idx.msk [tilespmem:v24+s5+$0x0], $0xffff;
	v23 =	vadd.s32 $0x1, v12  }
0x16b: {  	v27 =	vld.idx.msk [tilespmem:v28+s5+$0x0], $0xffff;
	v16 =	vsel vm14, v16, v15  }
0x16c: {  	vm15 =	vle.f32 v29, v5;
	v29 =	vadd.s32 $0x1, v16  }
0x16d: {  	v17 =	vsel vm15, v18, v17;
	vm4 =	vle.f32 v30, v4  }
0x16e: {  	v18 =	vadd.s32 $0x1, v17;
	v13 =	vsel vm4, v14, v13;
	v14 =	vld.idx.msk [tilespmem:v20+s5+$0x0], $0xffff  }
0x16f: {  	vm6 =	vle.f32 v21, v3;
	vm5 =	vle.f32 v19, v7;
	v15 =	vld.idx.msk [tilespmem:v23+s5+$0x0], $0xffff  }
0x170: {  	vm7 =	vle.f32 v27, v2;
	v19 =	vadd.s32 $0x1, v13;
	v22 =	vsel vm5, v24, v22  }
0x171: {  	v10 =	vsel vm6, v25, v10;
	v25 =	vsel vm7, v28, v26;
	v26 =	vld.idx.msk [tilespmem:v29+s5+$0x0], $0xffff;
	v21 =	vadd.s32 $0x1, v22  }
0x172: {  	v24 =	vadd.s32 $0x1, v10  }
0x173: {  	v27 =	vadd.s32 $0x1, v25;
	v28 =	vld.idx.msk [tilespmem:v18+s5+$0x0], $0xffff;
	vm8 =	vle.f32 v14, v9  }
0x174: {  	vm9 =	vle.f32 v15, v8;
	v31 =	vsel vm8, v20, v11  }
0x175: {  	v30 =	vld.idx.msk [tilespmem:v19+s5+$0x0], $0xffff;
	v15 =	vsel vm9, v23, v12  }
0x176: {  	vm10 =	vle.f32 v26, v6;
	v11 =	vld.idx.msk [tilespmem:v21+s5+$0x0], $0xffff  }
0x177: {  	v20 =	vld.idx.msk [tilespmem:v24+s5+$0x0], $0xffff;
	v16 =	vsel vm10, v29, v16  }
0x178: {  	vm11 =	vle.f32 v28, v5;
	v23 =	vld.idx.msk [tilespmem:v27+s5+$0x0], $0xffff  }
0x179: {  	v14 =	vsel vm11, v18, v17;
	v17 =	vld.idx.msk [tilespmem:v31+s23+$0x0], $0xffff  }
0x17a: {  	vm12 =	vle.f32 v30, v4;
	v18 =	vld.idx.msk [tilespmem:v15+s23+$0x0], $0xffff  }
0x17b: {  	v13 =	vsel vm12, v19, v13;
	v19 =	vld.idx.msk [tilespmem:v31+s24+$0x0], $0xffff  }
0x17c: {  	vm14 =	vle.f32 v20, v3;
	v20 =	vld.idx.msk [tilespmem:v16+s23+$0x0], $0xffff  }
0x17d: {  	v30 =	vld.idx.msk [tilespmem:v31+s20+$0x0], $0xffff  }
0x17e: {  	vm13 =	vle.f32 v11, v7;
	v61 =	vld.idx.msk [tilespmem:v15+s24+$0x0], $0xffff  }
0x17f: {  	vm15 =	vle.f32 v23, v2;
	v62 =	vld.idx.msk [tilespmem:v31+s21+$0x0], $0xffff;
	v12 =	vsel vm13, v21, v22;
	v17 =	vmul.f32 v17, v9  }
0x180: {  	v11 =	vsel vm14, v24, v10;
	v10 =	vsel vm15, v27, v25;
	v25 =	vld.idx.msk [tilespmem:v31+s25+$0x0], $0xffff  }
0x181: {  	v26 =	vld.idx.msk [tilespmem:v16+s24+$0x0], $0xffff;
	v17 =	vadd.f32 v19, v17  }
0x182: {  	v21 =	vld.idx.msk [tilespmem:v14+s23+$0x0], $0xffff  }
0x183: {  	v24 =	vld.idx.msk [tilespmem:v13+s23+$0x0], $0xffff;
	v17 =	vmul.f32 v17, v9  }
0x184: {  	v27 =	vld.idx.msk [tilespmem:v12+s23+$0x0], $0xffff  }
0x185: {  	v63 =	vmul.f32 v18, v8;
	v29 =	vld.idx.msk [tilespmem:v10+s23+$0x0], $0xffff;
	v18 =	vadd.f32 v17, v25  }
0x186: {  	v28 =	vld.idx.msk [tilespmem:v11+s23+$0x0], $0xffff  }
0x187: {  	v23 =	vld.idx.msk [tilespmem:v14+s24+$0x0], $0xffff;
	(erf) = vrcp.f32 v18  }
0x188: {  	v22 =	vmul.f32 v20, v6;
	v20 =	vmul.f32 v24, v4;
	v24 =	vld.idx.msk [tilespmem:v13+s24+$0x0], $0xffff  }
0x189: {  	v30 =	vmul.f32 v30, v9;
	v25 =	vld.idx.msk [tilespmem:v31+s22+$0x0], $0xffff  }
0x18a: {  	s18 =	sadd.s32 s8, s7;
	s12 =	simm.s32 $0x8;
	v17 =	vmul.f32 v27, v7;
	v27 =	vld.idx.msk [tilespmem:v12+s24+$0x0], $0xffff;
	v18 =	vmul.f32 v29, v2;
	v29 =	vadd.f32 v61, v63  }
0x18b: {  	s11 =	simm.s32 $0x0;
	s10 =	sadd.s32 $0x8, s18;
	s14 =	simm.s32 $0x400;
	v21 =	vmul.f32 v21, v5;
	v30 =	vadd.f32 v62, v30;
	v19 =	vmul.f32 v28, v3;
	v28 =	vld.idx.msk [tilespmem:v11+s24+$0x0], $0xffff  }
.LBB2_5:
0x18c: {  	s18 =	sand.u32 $0x3C00, s14;
	s13 =	sand.u32 $0x380, s12;
	s11 =	sadd.s32 $0x80, s11;
	v29 =	vmul.f32 v29, v8;
	v22 =	vadd.f32 v26, v22;
	v26 =	vld.idx.msk [tilespmem:v10+s24+$0x0], $0xffff  }
0x18d: {  	v21 =	vadd.f32 v23, v21;
	s18 =	sor.u32 s13, s18;
	v31 =	vld.idx.msk [tilespmem:v0+s5+$0x0], $0xffff;
	p0 =	slt.u32 s11, $0x3F80;
	v30 =	vmul.f32 v30, v9  }
0x18e: {  	v9 =	vld [tilespmem:s18+$0x43F0];
	v32 =	vmul.f32 v22, v6;
	v22 =	vadd.f32 v24, v20  }
0x18f: {  	v24 =	vmul.f32 v21, v5;
	v23 =	vld [tilespmem:s18+$0x4380];
	v25 =	vadd.f32 v30, v25  }
0x190: {  	v17 =	vadd.f32 v27, v17;
	v21 =	vld [tilespmem:s18+$0x4390];
	v30 =	vmul.f32 v22, v4;
	v20 =	vpop (erf)  }
0x191: {  	v27 =	vadd.f32 v28, v19;
	v22 =	vld [tilespmem:s18+$0x43A0];
	v25 =	vmul.f32 v20, v25  }
0x192: {  	v28 =	vmul.f32 v17, v7;
	v18 =	vadd.f32 v26, v18;
	v20 =	vld [tilespmem:s18+$0x43B0]  }
0x193: {  	v27 =	vmul.f32 v27, v3;
	v19 =	vld [tilespmem:s18+$0x43C0];
	vm0 =	vle.f32 v31, v9;
	[tilespmem:s9+$0xC3F0] =	vst v25  }
0x194: {  	v33 =	vmul.f32 v18, v2;
	vm1 =	vle.f32 v31, v23;
	v17 =	vld [tilespmem:s18+$0x43D0];
	v25 =	vsel vm0, $0x20, v1  }
0x195: {  	v26 =	vsel vm1, $0x20, v1;
	vm0 =	vle.f32 v31, v21;
	v18 =	vld [tilespmem:s18+$0x43E0];
	v34 =	vor.u32 $0x10, v25  }
0x196: {  	v35 =	vor.u32 $0x10, v26;
	v36 =	vsel vm0, $0x20, v1;
	vm0 =	vle.f32 v31, v22;
	v37 =	vld.idx.msk [tilespmem:v15+s25+$0x0], $0xffff  }
0x197: {  	v38 =	vor.u32 $0x10, v36;
	v39 =	vsel vm0, $0x20, v1;
	vm0 =	vle.f32 v31, v20;
	v40 =	vld.idx.msk [tilespmem:v16+s25+$0x0], $0xffff  }
0x198: {  	v41 =	vor.u32 $0x10, v39;
	v42 =	vsel vm0, $0x20, v1;
	vm0 =	vle.f32 v31, v19;
	v43 =	vld.idx.msk [tilespmem:v14+s25+$0x0], $0xffff  }
0x199: {  	v44 =	vor.u32 $0x10, v42;
	v45 =	vsel vm0, $0x20, v1;
	vm0 =	vle.f32 v31, v17;
	v46 =	vld.idx.msk [tilespmem:v13+s25+$0x0], $0xffff  }
0x19a: {  	v47 =	vor.u32 $0x10, v45;
	v48 =	vsel vm0, $0x20, v1;
	vm0 =	vle.f32 v31, v18;
	v31 =	vld.idx.msk [tilespmem:v34+s5+$0x0], $0xffff  }
0x19b: {  	v49 =	vld.idx.msk [tilespmem:v35+s5+$0x0], $0xffff;
	v50 =	vor.u32 $0x10, v48;
	v51 =	vsel vm0, $0x20, v1  }
0x19c: {  	v29 =	vadd.f32 v29, v37;
	v52 =	vld.idx.msk [tilespmem:v38+s5+$0x0], $0xffff;
	v53 =	vor.u32 $0x10, v51  }
0x19d: {  	v32 =	vadd.f32 v32, v40;
	v37 =	vld.idx.msk [tilespmem:v41+s5+$0x0], $0xffff  }
0x19e: {  	v24 =	vadd.f32 v24, v43;
	v40 =	vld.idx.msk [tilespmem:v44+s5+$0x0], $0xffff;
	(erf) = vrcp.f32 v29  }
0x19f: {  	v30 =	vadd.f32 v30, v46;
	v29 =	vld.idx.msk [tilespmem:v47+s5+$0x0], $0xffff;
	(erf) = vrcp.f32 v32  }
0x1a0: {  	vm0 =	vle.f32 v31, v9;
	v32 =	vld.idx.msk [tilespmem:v50+s5+$0x0], $0xffff;
	(erf) = vrcp.f32 v24  }
0x1a1: {  	vm1 =	vle.f32 v49, v23;
	v31 =	vsel vm0, v34, v25;
	v24 =	vld.idx.msk [tilespmem:v53+s5+$0x0], $0xffff;
	(erf) = vrcp.f32 v30  }
0x1a2: {  	v30 =	vsel vm1, v35, v26;
	vm0 =	vle.f32 v52, v21;
	v34 =	vor.u32 $0x8, v31;
	v26 =	vld.idx.msk [tilespmem:v12+s25+$0x0], $0xffff  }
0x1a3: {  	v35 =	vor.u32 $0x8, v30;
	v36 =	vsel vm0, v38, v36;
	vm0 =	vle.f32 v37, v22;
	v37 =	vld.idx.msk [tilespmem:v11+s25+$0x0], $0xffff  }
0x1a4: {  	v38 =	vor.u32 $0x8, v36;
	v39 =	vsel vm0, v41, v39;
	vm0 =	vle.f32 v40, v20;
	v40 =	vld.idx.msk [tilespmem:v10+s25+$0x0], $0xffff  }
0x1a5: {  	v41 =	vor.u32 $0x8, v39;
	v42 =	vsel vm0, v44, v42;
	vm0 =	vle.f32 v29, v19;
	v29 =	vld.idx.msk [tilespmem:v15+s20+$0x0], $0xffff  }
0x1a6: {  	v43 =	vor.u32 $0x8, v42;
	v44 =	vsel vm0, v47, v45;
	vm0 =	vle.f32 v32, v17;
	v32 =	vld.idx.msk [tilespmem:v16+s20+$0x0], $0xffff  }
0x1a7: {  	v45 =	vor.u32 $0x8, v44;
	v46 =	vsel vm0, v50, v48;
	vm0 =	vle.f32 v24, v18;
	v47 =	vld.idx.msk [tilespmem:v34+s5+$0x0], $0xffff;
	v25 =	vpop (erf)  }
0x1a8: {  	v49 =	vor.u32 $0x8, v46;
	v50 =	vsel vm0, v53, v51;
	v28 =	vadd.f32 v28, v26;
	v48 =	vld.idx.msk [tilespmem:v35+s5+$0x0], $0xffff;
	v26 =	vpop (erf)  }
0x1a9: {  	v52 =	vor.u32 $0x8, v50;
	v37 =	vadd.f32 v27, v37;
	v51 =	vld.idx.msk [tilespmem:v38+s5+$0x0], $0xffff;
	v27 =	vpop (erf)  }
0x1aa: {  	v33 =	vadd.f32 v33, v40;
	v53 =	vld.idx.msk [tilespmem:v41+s5+$0x0], $0xffff;
	v24 =	vpop (erf);
	(erf) = vrcp.f32 v28  }
0x1ab: {  	v40 =	vmul.f32 v29, v8;
	v28 =	vld.idx.msk [tilespmem:v43+s5+$0x0], $0xffff;
	(erf) = vrcp.f32 v37  }
0x1ac: {  	v32 =	vmul.f32 v32, v6;
	v29 =	vld.idx.msk [tilespmem:v45+s5+$0x0], $0xffff;
	(erf) = vrcp.f32 v33  }
0x1ad: {  	vm0 =	vle.f32 v47, v9;
	v33 =	vld.idx.msk [tilespmem:v49+s5+$0x0], $0xffff  }
0x1ae: {  	vm1 =	vle.f32 v48, v23;
	v31 =	vsel vm0, v34, v31;
	v37 =	vld.idx.msk [tilespmem:v52+s5+$0x0], $0xffff  }
0x1af: {  	v34 =	vsel vm1, v35, v30;
	vm0 =	vle.f32 v51, v21;
	v35 =	vor.u32 $0x4, v31;
	v30 =	vld.idx.msk [tilespmem:v14+s20+$0x0], $0xffff  }
0x1b0: {  	v47 =	vor.u32 $0x4, v34;
	v36 =	vsel vm0, v38, v36;
	vm0 =	vle.f32 v53, v22;
	v38 =	vld.idx.msk [tilespmem:v13+s20+$0x0], $0xffff  }
0x1b1: {  	v48 =	vor.u32 $0x4, v36;
	v39 =	vsel vm0, v41, v39;
	vm0 =	vle.f32 v28, v20;
	v41 =	vld.idx.msk [tilespmem:v12+s20+$0x0], $0xffff  }
0x1b2: {  	v51 =	vor.u32 $0x4, v39;
	v42 =	vsel vm0, v43, v42;
	vm0 =	vle.f32 v29, v19;
	v43 =	vld.idx.msk [tilespmem:v11+s20+$0x0], $0xffff  }
0x1b3: {  	v53 =	vor.u32 $0x4, v42;
	v44 =	vsel vm0, v45, v44;
	vm0 =	vle.f32 v33, v17;
	v33 =	vld.idx.msk [tilespmem:v10+s20+$0x0], $0xffff;
	v28 =	vpop (erf)  }
0x1b4: {  	v45 =	vor.u32 $0x4, v44;
	v46 =	vsel vm0, v49, v46;
	vm0 =	vle.f32 v37, v18;
	v37 =	vld.idx.msk [tilespmem:v35+s5+$0x0], $0xffff;
	v29 =	vpop (erf)  }
0x1b5: {  	v54 =	vor.u32 $0x4, v46;
	v50 =	vsel vm0, v52, v50;
	v52 =	vmul.f32 v30, v5;
	v49 =	vld.idx.msk [tilespmem:v47+s5+$0x0], $0xffff;
	v30 =	vpop (erf)  }
0x1b6: {  	v56 =	vor.u32 $0x4, v50;
	v38 =	vmul.f32 v38, v4;
	v55 =	vld.idx.msk [tilespmem:v48+s5+$0x0], $0xffff  }
0x1b7: {  	v41 =	vmul.f32 v41, v7;
	v57 =	vld.idx.msk [tilespmem:v51+s5+$0x0], $0xffff  }
0x1b8: {  	v43 =	vmul.f32 v43, v3;
	v58 =	vld.idx.msk [tilespmem:v53+s5+$0x0], $0xffff  }
0x1b9: {  	v33 =	vmul.f32 v33, v2;
	v59 =	vld.idx.msk [tilespmem:v45+s5+$0x0], $0xffff  }
0x1ba: {  	vm0 =	vle.f32 v37, v9;
	v60 =	vld.idx.msk [tilespmem:v54+s5+$0x0], $0xffff  }
0x1bb: {  	vm1 =	vle.f32 v49, v23;
	v31 =	vsel vm0, v35, v31;
	v37 =	vld.idx.msk [tilespmem:v56+s5+$0x0], $0xffff  }
0x1bc: {  	v34 =	vsel vm1, v47, v34;
	vm0 =	vle.f32 v55, v21;
	v35 =	vadd.s32 $0x2, v31;
	v47 =	vld.idx.msk [tilespmem:v15+s21+$0x0], $0xffff  }
0x1bd: {  	v49 =	vadd.s32 $0x2, v34;
	v36 =	vsel vm0, v48, v36;
	vm0 =	vle.f32 v57, v22;
	v48 =	vld.idx.msk [tilespmem:v16+s21+$0x0], $0xffff  }
0x1be: {  	v55 =	vadd.s32 $0x2, v36;
	v39 =	vsel vm0, v51, v39;
	vm0 =	vle.f32 v58, v20;
	v51 =	vld.idx.msk [tilespmem:v14+s21+$0x0], $0xffff  }
0x1bf: {  	v57 =	vadd.s32 $0x2, v39;
	v42 =	vsel vm0, v53, v42;
	vm0 =	vle.f32 v59, v19;
	v53 =	vld.idx.msk [tilespmem:v13+s21+$0x0], $0xffff  }
0x1c0: {  	v58 =	vadd.s32 $0x2, v42;
	v44 =	vsel vm0, v45, v44;
	vm0 =	vle.f32 v60, v17;
	v45 =	vld.idx.msk [tilespmem:v12+s21+$0x0], $0xffff  }
0x1c1: {  	v59 =	vadd.s32 $0x2, v44;
	v46 =	vsel vm0, v54, v46;
	vm0 =	vle.f32 v37, v18;
	v37 =	vld.idx.msk [tilespmem:v35+s5+$0x0], $0xffff  }
0x1c2: {  	v60 =	vadd.s32 $0x2, v46;
	v50 =	vsel vm0, v56, v50;
	v40 =	vadd.f32 v47, v40;
	v54 =	vld.idx.msk [tilespmem:v49+s5+$0x0], $0xffff  }
0x1c3: {  	v56 =	vadd.s32 $0x2, v50;
	v32 =	vadd.f32 v48, v32;
	v47 =	vld.idx.msk [tilespmem:v55+s5+$0x0], $0xffff  }
0x1c4: {  	v40 =	vmul.f32 v40, v8;
	v51 =	vadd.f32 v51, v52;
	v8 =	vmov v23;
	v48 =	vld.idx.msk [tilespmem:v57+s5+$0x0], $0xffff  }
0x1c5: {  	v32 =	vmul.f32 v32, v6;
	v38 =	vadd.f32 v53, v38;
	v6 =	vmov v21;
	v23 =	vld.idx.msk [tilespmem:v58+s5+$0x0], $0xffff  }
0x1c6: {  	v51 =	vmul.f32 v51, v5;
	v41 =	vadd.f32 v45, v41;
	v5 =	vmov v22;
	v21 =	vld.idx.msk [tilespmem:v59+s5+$0x0], $0xffff  }
0x1c7: {  	vm0 =	vle.f32 v37, v9;
	v37 =	vmul.f32 v38, v4;
	v4 =	vmov v20;
	v22 =	vld.idx.msk [tilespmem:v60+s5+$0x0], $0xffff  }
0x1c8: {  	vm1 =	vle.f32 v54, v8;
	v31 =	vsel vm0, v35, v31;
	v35 =	vmul.f32 v41, v7;
	v20 =	vld.idx.msk [tilespmem:v56+s5+$0x0], $0xffff  }
0x1c9: {  	v7 =	vmovc v19;
	v34 =	vsel vm1, v49, v34;
	vm0 =	vle.f32 v47, v6;
	v38 =	vadd.s32 $0x1, v31;
	v41 =	vld.idx.msk [tilespmem:v11+s21+$0x0], $0xffff  }
0x1ca: {  	v19 =	vadd.s32 $0x1, v34;
	v36 =	vsel vm0, v55, v36;
	vm0 =	vle.f32 v48, v5;
	v45 =	vld.idx.msk [tilespmem:v10+s21+$0x0], $0xffff  }
0x1cb: {  	v47 =	vadd.s32 $0x1, v36;
	v39 =	vsel vm0, v57, v39;
	vm0 =	vle.f32 v23, v4;
	v15 =	vld.idx.msk [tilespmem:v15+s22+$0x0], $0xffff  }
0x1cc: {  	v23 =	vadd.s32 $0x1, v39;
	v42 =	vsel vm0, v58, v42;
	vm0 =	vle.f32 v21, v7;
	v16 =	vld.idx.msk [tilespmem:v16+s22+$0x0], $0xffff  }
0x1cd: {  	v21 =	vadd.s32 $0x1, v42;
	v44 =	vsel vm0, v59, v44;
	vm0 =	vle.f32 v22, v17;
	v14 =	vld.idx.msk [tilespmem:v14+s22+$0x0], $0xffff  }
0x1ce: {  	v22 =	vadd.s32 $0x1, v44;
	v46 =	vsel vm0, v60, v46;
	vm0 =	vle.f32 v20, v18;
	v20 =	vld.idx.msk [tilespmem:v38+s5+$0x0], $0xffff  }
0x1cf: {  	v49 =	vadd.s32 $0x1, v46;
	v50 =	vsel vm0, v56, v50;
	v41 =	vadd.f32 v41, v43;
	v48 =	vld.idx.msk [tilespmem:v19+s5+$0x0], $0xffff  }
0x1d0: {  	v52 =	vadd.s32 $0x1, v50;
	v33 =	vadd.f32 v45, v33;
	v43 =	vld.idx.msk [tilespmem:v47+s5+$0x0], $0xffff  }
0x1d1: {  	v15 =	vadd.f32 v40, v15;
	v40 =	vmul.f32 v41, v3;
	v3 =	vmov v17;
	v45 =	vld.idx.msk [tilespmem:v23+s5+$0x0], $0xffff  }
0x1d2: {  	v16 =	vadd.f32 v32, v16;
	v32 =	vmul.f32 v33, v2;
	v2 =	vmov v18;
	v17 =	vld.idx.msk [tilespmem:v21+s5+$0x0], $0xffff  }
0x1d3: {  	v25 =	vmul.f32 v25, v15;
	v14 =	vadd.f32 v51, v14;
	v18 =	vld.idx.msk [tilespmem:v22+s5+$0x0], $0xffff  }
0x1d4: {  	vm0 =	vle.f32 v20, v9;
	v20 =	vmul.f32 v26, v16;
	v33 =	vld.idx.msk [tilespmem:v49+s5+$0x0], $0xffff  }
0x1d5: {  	vm1 =	vle.f32 v48, v8;
	v31 =	vsel vm0, v38, v31;
	v27 =	vmul.f32 v27, v14;
	v26 =	vld.idx.msk [tilespmem:v52+s5+$0x0], $0xffff  }
0x1d6: {  	v15 =	vsel vm1, v19, v34;
	vm0 =	vle.f32 v43, v6;
	[tilespmem:s9+$0xC380] =	vst v25;
	v19 =	vld.idx.msk [tilespmem:v13+s22+$0x0], $0xffff  }
0x1d7: {  	v16 =	vsel vm0, v47, v36;
	vm0 =	vle.f32 v45, v5;
	[tilespmem:s9+$0xC390] =	vst v20;
	v20 =	vld.idx.msk [tilespmem:v12+s22+$0x0], $0xffff  }
0x1d8: {  	v14 =	vsel vm0, v23, v39;
	vm0 =	vle.f32 v17, v4;
	[tilespmem:s9+$0xC3A0] =	vst v27;
	v17 =	vld.idx.msk [tilespmem:v11+s22+$0x0], $0xffff  }
0x1d9: {  	v13 =	vsel vm0, v21, v42;
	vm0 =	vle.f32 v18, v7;
	v18 =	vld.idx.msk [tilespmem:v10+s22+$0x0], $0xffff  }
0x1da: {  	v12 =	vsel vm0, v22, v44;
	vm0 =	vle.f32 v33, v3;
	v21 =	vld.idx.msk [tilespmem:v31+s23+$0x0], $0xffff  }
0x1db: {  	v11 =	vsel vm0, v49, v46;
	vm0 =	vle.f32 v26, v2;
	v22 =	vld.idx.msk [tilespmem:v15+s23+$0x0], $0xffff  }
0x1dc: {  	v10 =	vsel vm0, v52, v50;
	v19 =	vadd.f32 v37, v19;
	v23 =	vld.idx.msk [tilespmem:v31+s24+$0x0], $0xffff  }
0x1dd: {  	v20 =	vadd.f32 v35, v20;
	v25 =	vld.idx.msk [tilespmem:v16+s23+$0x0], $0xffff  }
0x1de: {  	v19 =	vmul.f32 v24, v19;
	v17 =	vadd.f32 v40, v17;
	v26 =	vld.idx.msk [tilespmem:v14+s23+$0x0], $0xffff  }
0x1df: {  	v20 =	vmul.f32 v28, v20;
	v18 =	vadd.f32 v32, v18;
	v24 =	vld.idx.msk [tilespmem:v13+s23+$0x0], $0xffff  }
0x1e0: {  	v21 =	vmul.f32 v21, v9;
	v17 =	vmul.f32 v29, v17;
	v27 =	vld.idx.msk [tilespmem:v31+s25+$0x0], $0xffff;
	[tilespmem:s9+$0xC3B0] =	vst v19  }
0x1e1: {  	v28 =	vmul.f32 v22, v8;
	v18 =	vmul.f32 v30, v18;
	v19 =	vld.idx.msk [tilespmem:v12+s23+$0x0], $0xffff;
	[tilespmem:s9+$0xC3C0] =	vst v20  }
0x1e2: {  	v20 =	vadd.f32 v23, v21;
	v29 =	vld.idx.msk [tilespmem:v11+s23+$0x0], $0xffff;
	[tilespmem:s9+$0xC3D0] =	vst v17  }
0x1e3: {  	v22 =	vmul.f32 v25, v6;
	v25 =	vld.idx.msk [tilespmem:v10+s23+$0x0], $0xffff;
	[tilespmem:s9+$0xC3E0] =	vst v18;
	s9 =	smov.u32 s18  }
0x1e4: {  	v21 =	vmul.f32 v26, v5;
	v17 =	vmul.f32 v20, v9;
	v30 =	vld.idx.msk [tilespmem:v31+s20+$0x0], $0xffff  }
0x1e5: {  	v20 =	vmul.f32 v24, v4;
	v32 =	vld.idx.msk [tilespmem:v15+s24+$0x0], $0xffff  }
0x1e6: {  	v18 =	vadd.f32 v17, v27;
	v33 =	vld.idx.msk [tilespmem:v31+s21+$0x0], $0xffff  }
0x1e7: {  	v17 =	vmul.f32 v19, v7;
	v26 =	vld.idx.msk [tilespmem:v16+s24+$0x0], $0xffff  }
.Ltmp3:
0x1e8: {  	v19 =	vmul.f32 v29, v3;
	v23 =	vld.idx.msk [tilespmem:v14+s24+$0x0], $0xffff;
	(erf) = vrcp.f32 v18;
	(pc) =	sbr.rel @p0 .LBB2_5-.Ltmp3, $4  }
0x1e9: {  	v18 =	vmul.f32 v25, v2;
	v24 =	vld.idx.msk [tilespmem:v13+s24+$0x0], $0xffff  }
0x1ea: {  	v30 =	vmul.f32 v30, v9;
	v25 =	vld.idx.msk [tilespmem:v31+s22+$0x0], $0xffff  }
0x1eb: {  	v29 =	vadd.f32 v32, v28;
	v27 =	vld.idx.msk [tilespmem:v12+s24+$0x0], $0xffff  }
0x1ec: {  	s12 =	sadd.s32 $0x8, s12;
	s14 =	sadd.s32 $0x400, s14;
	v30 =	vadd.f32 v33, v30;
	v28 =	vld.idx.msk [tilespmem:v11+s24+$0x0], $0xffff  }
0x1ed: {  	_ =	sdelay $0x3  }
0x1ee: {  	v31 =	vld.idx.msk [tilespmem:v10+s24+$0x0], $0xffff  }
0x1ef: {  	v32 =	vld.idx.msk [tilespmem:v15+s25+$0x0], $0xffff  }
0x1f0: {  	v33 =	vld.idx.msk [tilespmem:v16+s25+$0x0], $0xffff  }
0x1f1: {  	v34 =	vld.idx.msk [tilespmem:v14+s25+$0x0], $0xffff  }
0x1f2: {  	v35 =	vld.idx.msk [tilespmem:v13+s25+$0x0], $0xffff  }
0x1f3: {  	v36 =	vld.idx.msk [tilespmem:v12+s25+$0x0], $0xffff  }
0x1f4: {  	v37 =	vld.idx.msk [tilespmem:v11+s25+$0x0], $0xffff  }
0x1f5: {  	v38 =	vld.idx.msk [tilespmem:v10+s25+$0x0], $0xffff  }
0x1f6: {  	v39 =	vld.idx.msk [tilespmem:v15+s20+$0x0], $0xffff  }
0x1f7: {  	v41 =	vld.idx.msk [tilespmem:v14+s20+$0x0], $0xffff  }
0x1f8: {  	v56 =	vld.idx.msk [tilespmem:v13+s20+$0x0], $0xffff  }
0x1f9: {  	v22 =	vadd.f32 v26, v22;
	v58 =	vld.idx.msk [tilespmem:v12+s20+$0x0], $0xffff  }
0x1fa: {  	v21 =	vadd.f32 v23, v21;
	v59 =	vld.idx.msk [tilespmem:v11+s20+$0x0], $0xffff;
	v9 =	vmul.f32 v30, v9  }
0x1fb: {  	v57 =	vmul.f32 v29, v8;
	v60 =	vld.idx.msk [tilespmem:v10+s20+$0x0], $0xffff;
	v20 =	vadd.f32 v24, v20;
	v22 =	vmul.f32 v22, v6  }
0x1fc: {  	v40 =	vld.idx.msk [tilespmem:v16+s20+$0x0], $0xffff;
	v21 =	vmul.f32 v21, v5;
	v9 =	vadd.f32 v9, v25;
	v17 =	vadd.f32 v27, v17  }
0x1fd: {  	v61 =	vld.idx.msk [tilespmem:v15+s21+$0x0], $0xffff;
	v20 =	vmul.f32 v20, v4;
	v19 =	vadd.f32 v28, v19;
	v23 =	vadd.f32 v57, v32  }
0x1fe: {  	v62 =	vld.idx.msk [tilespmem:v16+s21+$0x0], $0xffff;
	v18 =	vadd.f32 v31, v18;
	v17 =	vmul.f32 v17, v7;
	v42 =	vmul.f32 v41, v5  }
0x1ff: {  	v63 =	vld.idx.msk [tilespmem:v14+s21+$0x0], $0xffff;
	v22 =	vadd.f32 v22, v33;
	v26 =	vmul.f32 v56, v4;
	v24 =	vmul.f32 v58, v7  }
0x200: {  	v43 =	vld.idx.msk [tilespmem:v16+s22+$0x0], $0xffff;
	v21 =	vadd.f32 v21, v34;
	v25 =	vmul.f32 v59, v3;
	v47 =	vmul.f32 v60, v2  }
0x201: {  	v20 =	vadd.f32 v20, v35;
	v33 =	vld.idx.msk [tilespmem:v13+s21+$0x0], $0xffff;
	v19 =	vmul.f32 v19, v3;
	(erf) = vrcp.f32 v23  }
0x202: {  	v44 =	vld.idx.msk [tilespmem:v14+s22+$0x0], $0xffff;
	v18 =	vmul.f32 v18, v2;
	v17 =	vadd.f32 v17, v36;
	(erf) = vrcp.f32 v22  }
0x203: {  	v35 =	vld.idx.msk [tilespmem:v12+s21+$0x0], $0xffff;
	v19 =	vadd.f32 v19, v37;
	v37 =	vmul.f32 v39, v8;
	(erf) = vrcp.f32 v21  }
0x204: {  	v34 =	vpop (erf);
	v39 =	vmul.f32 v40, v6;
	v40 =	vld.idx.msk [tilespmem:v15+s22+$0x0], $0xffff;
	(erf) = vrcp.f32 v20  }
0x205: {  	v36 =	vld.idx.msk [tilespmem:v11+s21+$0x0], $0xffff;
	v18 =	vadd.f32 v18, v38;
	v28 =	vadd.f32 v61, v37;
	(erf) = vrcp.f32 v17  }
0x206: {  	v38 =	vld.idx.msk [tilespmem:v10+s21+$0x0], $0xffff;
	v23 =	vadd.f32 v62, v39;
	v21 =	vadd.f32 v33, v26;
	(erf) = vrcp.f32 v19  }
0x207: {  	v46 =	vld.idx.msk [tilespmem:v13+s22+$0x0], $0xffff;
	v45 =	vmul.f32 v28, v8;
	(erf) = vrcp.f32 v18;
	v18 =	vadd.f32 v63, v42  }
0x208: {  	v49 =	vld.idx.msk [tilespmem:v12+s22+$0x0], $0xffff;
	v9 =	vmul.f32 v34, v9;
	v20 =	vadd.f32 v35, v24;
	v48 =	vmul.f32 v23, v6  }
0x209: {  	v52 =	vld.idx.msk [tilespmem:v11+s22+$0x0], $0xffff;
	v51 =	vmul.f32 v21, v4;
	v8 =	vadd.f32 v45, v40;
	v50 =	vmul.f32 v18, v5  }
0x20a: {  	v55 =	vld.idx.msk [tilespmem:v10+s22+$0x0], $0xffff;
	v54 =	vmul.f32 v20, v7;
	v17 =	vadd.f32 v36, v25;
	v6 =	vadd.f32 v48, v43;
	v53 =	vpop (erf)  }
0x20b: {  	v57 =	vadd.f32 v38, v47;
	v56 =	vpop (erf);
	v8 =	vmul.f32 v53, v8;
	v5 =	vadd.f32 v50, v44  }
0x20c: {  	[tilespmem:s9+$0xC3F0] =	vst v9;
	v3 =	vmul.f32 v17, v3;
	v4 =	vadd.f32 v51, v46;
	v58 =	vpop (erf);
	v6 =	vmul.f32 v56, v6  }
0x20d: {  	v7 =	vadd.f32 v54, v49;
	v2 =	vmul.f32 v57, v2;
	v59 =	vpop (erf);
	v5 =	vmul.f32 v58, v5;
	[tilespmem:s9+$0xC380] =	vst v8  }
0x20e: {  	v3 =	vadd.f32 v3, v52;
	v60 =	vpop (erf);
	[tilespmem:s9+$0xC390] =	vst v6;
	v4 =	vmul.f32 v59, v4  }
0x20f: {  	v2 =	vadd.f32 v2, v55;
	v61 =	vpop (erf);
	[tilespmem:s9+$0xC3A0] =	vst v5;
	v62 =	vmul.f32 v60, v7  }
.Ltmp4:
0x210: {  	v63 =	vpop (erf);
	[tilespmem:s9+$0xC3B0] =	vst v4;
	v3 =	vmul.f32 v61, v3;
	(pc) =	sbr.rel @p1 .LBB2_8-.Ltmp4, $4  }
0x211: {  	[tilespmem:s9+$0xC3C0] =	vst v62;
	v2 =	vmul.f32 v63, v2  }
0x212: {  	s10 =	sshll.u32 s10, $0x8;
	[tilespmem:s9+$0xC3D0] =	vst v3  }
0x213: {  	s18 =	sadd.s32 s4, s10;
	[tilespmem:s9+$0xC3E0] =	vst v2  }
0x214: {  	[hbm4b:s18+s5] =	stream.linear.scatter [tilespmem:s0], [sflag:$0x4], $0x4000, $0x38;
	[tilespmem:$0x10380] =	vst v63  }
.Ltmp5:
0x215: {  	(pc) =	sbr.rel .LBB2_2-.Ltmp5, $4  }
0x216: {  	s8 =	sadd.s32 s8, s17  }
0x217: {  	s8 =	sshll.u32 s8, $0x8  }
0x218: {  	s3 =	sadd.s32 $0x1, s3;
	s8 =	sadd.s32 s1, s8  }
0x219: {  	[tilespmem:s28], [sflag:$0x2] =	stream.linear.gather [hbm4b:s8+s5], $0x4000, $0x38;
	[tilespmem:$0x10380] =	vst v63  }
.LBB2_9:
0x21a: {  	_ =	sfence.sel $0x180000  }
0x21b: {  	[bflag:$0x0] =	sbarrier.arrive $0xFFFF  }
0x21c: {  	_ =	strace $0x90000047  }
0x21d: {  	s0 =	stileid.u32;
	[bflag:$0x2] =	sbarrier.arrive $0xFFFF  }
0x21e: {  	p0 =	sne.s32 s0, $0x0;
	s0 =	rddreg [dreg:$0x4]  }
0x21f: {  	s0 =	sadd.s32 @!p0 $0x100000, s0  }
0x220: {  	[sflag:s0] =	ssyncadd.tile.s32 @!p0 $0x1;
	_ =	shalt  }
.Lfunc_end2:
_tile_overlayer_lowered:
.L_overlay_start_2:
0x221: {  	(tag) =	ssettag $0x2  }
0x222: {  	s0 =	rddreg [dreg:$0x0];
	s2 =	stileid.u32  }
0x223: {  	s1 =	rddreg [dreg:$0x1];
	p0 =	sne.s32 s2, $0x0  }
0x224: {  	s3 =	rddreg [dreg:$0x2];
	[bflag:$0x3] =	sbarrier.arrive $0xFFFF;
	s2 =	simm.s32 @!p0 $0x1C05  }
0x225: {  	[timem:s3], [sflag:s2] =	dma.local @!p0 [hbm:s0], s1  }
0x226: {  	s0 =	simm.s32 @!p0 $0x5  }
0x227: {  	_ =	swait.ge @!p0 [sflag:s0], s1  }
0x228: {  	s1 =	ssub.s32 @!p0 $0x0, s1;
	[sflag:s0] =	ssyncset.done @!p0 $0x0  }
0x229: {  	[sflag:s0] =	ssyncadd.s32 @!p0 s1  }
0x22a: {  	[bflag:$0x3] =	sbarrier.arrive $0xFFFF  }
0x22b: {  	_ =	shalt  }

</sc_bundles>
